<compile_context>
chip_gen: v7x
topology: tpu7x:2x2x1
jax: 0.10.2.dev20260603
libtpu: 0.0.44.dev20260713+nightly
codegen_flags: <defaults>
</compile_context>

<pallas_src>
import functools

import jax
import jax.numpy as jnp
from jax import lax
from jax.experimental import pallas as pl
from jax.experimental.pallas import tpu as pltpu
from jax.experimental.pallas import tpu_sc as plsc

N = 320000
M = 10000
D = 128
MP = 10240

NC, NS = 2, 16
PER_TILE = N // (NC * NS)
CHUNK = 112
NBUF = 3
NFULL = PER_TILE // CHUNK
TAIL = PER_TILE - NFULL * CHUNK
OUT_ROWS = MP // NS
CROWS = 8


def _mm_relu_body(x_ref, w_ref, b_ref, o_ref):
    x = x_ref[...].astype(jnp.bfloat16)
    w = w_ref[...].astype(jnp.bfloat16)
    o_ref[...] = jnp.maximum(
        jnp.dot(x, w, preferred_element_type=jnp.float32) + b_ref[...], 0.0)


def _node_transform(hyper_node, W_v2e, b_v2e):
    BN = 6400
    grid = (N // BN,)
    return pl.pallas_call(
        _mm_relu_body,
        grid=grid,
        in_specs=[
            pl.BlockSpec((BN, D), lambda i: (i, 0)),
            pl.BlockSpec((D, D), lambda i: (0, 0)),
            pl.BlockSpec((1, D), lambda i: (0, 0)),
        ],
        out_specs=pl.BlockSpec((BN, D), lambda i: (i, 0)),
        out_shape=jax.ShapeDtypeStruct((N, D), jnp.float32),
    )(hyper_node, W_v2e, b_v2e.reshape(1, D))


def _scatter_body(ni_hbm, idx_hbm, zsum_hbm,
                  sum_out, cnt_out,
                  rows_v0, rows_v1, rows_v2,
                  idx_v0, idx_v1, idx_v2, idxt_v,
                  ones_v, zc_v, sum_acc, cnt_acc,
                  rsem0, rsem1, rsem2,
                  isem0, isem1, isem2,
                  ssem0, ssem1, ssem2,
                  csem0, csem1, csem2):
    c = lax.axis_index("c")
    s = lax.axis_index("s")
    rows = (rows_v0, rows_v1, rows_v2)
    idxs = (idx_v0, idx_v1, idx_v2)
    rsem = (rsem0, rsem1, rsem2)
    isem = (isem0, isem1, isem2)
    ssem = (ssem0, ssem1, ssem2)
    csem = (csem0, csem1, csem2)

    one16 = jnp.ones((16,), jnp.float32)
    zero16 = jnp.zeros((16,), jnp.float32)
    for k in range(CHUNK // 16):
        ones_v[pl.ds(16 * k, 16)] = one16
    for k in range(OUT_ROWS // 16):
        zc_v[pl.ds(16 * k, 16)] = zero16

    r0 = pl.multiple_of(s * OUT_ROWS, 8)
    pltpu.sync_copy(zsum_hbm.at[pl.ds(r0, OUT_ROWS)],
                    sum_acc.at[pl.ds(r0, OUT_ROWS)])
    pltpu.sync_copy(zc_v, cnt_acc.at[pl.ds(r0, OUT_ROWS)])
    plsc.subcore_barrier()

    node_base = c * (N // NC) + s * PER_TILE

    def start_fetch(k, b):
        kk = jnp.where(k < NFULL, k, 0)
        base = pl.multiple_of(node_base + kk * CHUNK, 8)
        pltpu.make_async_copy(ni_hbm.at[pl.ds(base, CHUNK)],
                              rows[b], rsem[b]).start()
        pltpu.make_async_copy(idx_hbm.at[pl.ds(base, CHUNK)],
                              idxs[b], isem[b]).start()

    def wait_fetch(b):
        pltpu.make_async_copy(ni_hbm.at[pl.ds(0, CHUNK)],
                              rows[b], rsem[b]).wait()
        pltpu.make_async_copy(idx_hbm.at[pl.ds(0, CHUNK)],
                              idxs[b], isem[b]).wait()

    def start_scat(b):
        pltpu.make_async_copy(rows[b], sum_acc.at[idxs[b]],
                              ssem[b]).start(add=True)
        pltpu.make_async_copy(ones_v, cnt_acc.at[idxs[b]],
                              csem[b]).start(add=True)

    def wait_scat(b):
        pltpu.make_async_copy(rows[b], sum_acc.at[idxs[b]], ssem[b]).wait()
        pltpu.make_async_copy(ones_v, cnt_acc.at[idxs[b]], csem[b]).wait()

    def step(k, b, first=False):
        wait_fetch(b)
        start_scat(b)
        if not first:
            wait_scat((b - 1) % NBUF)
        start_fetch(k + 2, (b + 2) % NBUF)

    start_fetch(0, 0)
    start_fetch(1, 1)
    step(0, 0, first=True)

    @pl.loop(0, (NFULL - 2) // NBUF)
    def body(g):
        k = NBUF * g + 1
        step(k, 1)
        step(k + 1, 2)
        step(k + 2, 0)

    rem = (NFULL - 1) - ((NFULL - 2) // NBUF) * NBUF
    for i in range(rem):
        k = NFULL - rem + i
        step(k, k % NBUF)

    wait_scat((NFULL - 1) % NBUF)
    wait_fetch(NFULL % NBUF)
    wait_fetch((NFULL + 1) % NBUF)

    tbase = pl.multiple_of(node_base + NFULL * CHUNK, 8)
    pltpu.sync_copy(ni_hbm.at[pl.ds(tbase, TAIL)], rows_v0.at[pl.ds(0, TAIL)])
    pltpu.sync_copy(idx_hbm.at[pl.ds(tbase, TAIL)], idxt_v)
    pltpu.sync_copy(rows_v0.at[pl.ds(0, TAIL)], sum_acc.at[idxt_v], add=True)
    pltpu.sync_copy(ones_v.at[pl.ds(0, TAIL)], cnt_acc.at[idxt_v], add=True)

    plsc.subcore_barrier()

    pltpu.sync_copy(sum_acc.at[pl.ds(r0, OUT_ROWS)],
                    sum_out.at[c, pl.ds(r0, OUT_ROWS)])
    pltpu.sync_copy(cnt_acc.at[pl.ds(r0, OUT_ROWS)], zc_v)
    for k in range(OUT_ROWS // 16):
        rows_v0[k // 8, pl.ds((k % 8) * 16, 16)] = zc_v[pl.ds(16 * k, 16)]
    cr0 = pl.multiple_of(s * CROWS, 8)
    pltpu.sync_copy(rows_v0.at[pl.ds(0, CROWS)],
                    cnt_out.at[c, pl.ds(cr0, CROWS)])


def _segment_sums(node_info, idx, zsum):
    mesh = plsc.VectorSubcoreMesh(core_axis_name="c", subcore_axis_name="s")
    f = functools.partial(
        pl.kernel,
        out_type=(jax.ShapeDtypeStruct((NC, MP, D), jnp.float32),
                  jax.ShapeDtypeStruct((NC, NS * CROWS, D), jnp.float32)),
        mesh=mesh,
        scratch_types=[
            pltpu.VMEM((CHUNK, D), jnp.float32),
            pltpu.VMEM((CHUNK, D), jnp.float32),
            pltpu.VMEM((CHUNK, D), jnp.float32),
            pltpu.VMEM((CHUNK,), jnp.int32),
            pltpu.VMEM((CHUNK,), jnp.int32),
            pltpu.VMEM((CHUNK,), jnp.int32),
            pltpu.VMEM((TAIL,), jnp.int32),
            pltpu.VMEM((CHUNK,), jnp.float32),
            pltpu.VMEM((OUT_ROWS,), jnp.float32),
            pltpu.VMEM_SHARED((MP, D), jnp.float32),
            pltpu.VMEM_SHARED((MP,), jnp.float32),
        ] + [pltpu.SemaphoreType.DMA for _ in range(12)],
    )(_scatter_body)
    return f(node_info, idx, zsum)


def _update_body(sums_ref, cnt_ref, he_ref, wa_ref, wb_ref, b_ref, o_ref):
    ssum = sums_ref[0] + sums_ref[1]
    cnt = jnp.sum(cnt_ref[...], axis=1, keepdims=True)
    mean = ssum / jnp.maximum(cnt, 1.0)
    h = jnp.dot(mean, wa_ref[...], preferred_element_type=jnp.float32)
    h = h + jnp.dot(he_ref[...], wb_ref[...], preferred_element_type=jnp.float32)
    h = jnp.maximum(h + b_ref[...], 0.0)
    nrm = jnp.sqrt(jnp.sum(h * h, axis=-1, keepdims=True))
    o_ref[...] = h / jnp.maximum(nrm, 1e-12)


def _update(sums, cntsT, hyperedge, W_upd, b_upd):
    BR = 2000
    grid = (M // BR,)
    return pl.pallas_call(
        _update_body,
        grid=grid,
        in_specs=[
            pl.BlockSpec((NC, BR, D), lambda i: (0, i, 0)),
            pl.BlockSpec((BR, NC), lambda i: (i, 0)),
            pl.BlockSpec((BR, D), lambda i: (i, 0)),
            pl.BlockSpec((D, D), lambda i: (0, 0)),
            pl.BlockSpec((D, D), lambda i: (0, 0)),
            pl.BlockSpec((1, D), lambda i: (0, 0)),
        ],
        out_specs=pl.BlockSpec((BR, D), lambda i: (i, 0)),
        out_shape=jax.ShapeDtypeStruct((M, D), jnp.float32),
    )(sums, cntsT, hyperedge, W_upd[:D], W_upd[D:], b_upd.reshape(1, D))


def kernel(hyperedge, hyper_node, ve_affiliation, W_v2e, b_v2e, W_upd, b_upd):
    assert hyper_node.shape == (N, D) and hyperedge.shape == (M, D)
    node_info = _node_transform(hyper_node, W_v2e, b_v2e)
    idx = ve_affiliation[0]
    zsum = jnp.zeros((MP, D), jnp.float32)
    sums, cnts_wide = _segment_sums(node_info, idx, zsum)
    cntsT = (cnts_wide.reshape(NC, NS, CROWS * D)[:, :, :OUT_ROWS]
             .reshape(NC, MP).T)
    return _update(sums, cntsT, hyperedge, W_upd, b_upd)

# --- scband reference (transcript-rebuilt; emitter-appended) ---
"""Pipeline reference for scband-v2-e-layer-47390669144619 (READ-ONLY COPY).

The authoritative reference and input builder live on the scoring server;
editing this copy changes nothing except your own understanding.
"""

import jax, jax.numpy as jnp
import numpy as np

M = 10000
N = 320000
EIN = 128
EOUT = 128
NIN = 128

def setup_inputs(seed: int = 0) -> dict:
    key = jax.random.key(seed)
    k1, k2, k3, k4, k5, k6, k7 = jax.random.split(key, 7)
    hyperedge = jax.random.normal(k1, (M, EIN), dtype=jnp.float32)
    hyper_node = jax.random.normal(k2, (N, NIN), dtype=jnp.float32)
    ve_affiliation = jax.random.randint(k3, (2, N), 0, M, dtype=jnp.int32)
    # xavier_uniform-style init for linear weights (stored as [in, out])
    lim1 = float(np.sqrt(6.0 / (NIN + EOUT)))
    W_v2e = jax.random.uniform(k4, (NIN, EOUT), minval=-lim1, maxval=lim1, dtype=jnp.float32)
    b_v2e = jnp.zeros((EOUT,), dtype=jnp.float32)
    lim2 = float(np.sqrt(6.0 / (EIN + EOUT + EOUT)))
    W_upd = jax.random.uniform(k5, (EIN + EOUT, EOUT), minval=-lim2, maxval=lim2, dtype=jnp.float32)
    b_upd = jnp.zeros((EOUT,), dtype=jnp.float32)
    return {"hyperedge": hyperedge, "hyper_node": hyper_node, "ve_affiliation": ve_affiliation,
            "W_v2e": W_v2e, "b_v2e": b_v2e, "W_upd": W_upd, "b_upd": b_upd}

def reference(hyperedge, hyper_node, ve_affiliation, W_v2e, b_v2e, W_upd, b_upd):
    num_hyperedges = hyperedge.shape[0]
    # v2e linear + activation
    node_info = jax.nn.relu(hyper_node @ W_v2e + b_v2e)
    idx = ve_affiliation[0]
    # scatter_mean: index_add of src and of ones, divide by clamped count
    summed = jax.ops.segment_sum(node_info, idx, num_segments=num_hyperedges)
    count = jax.ops.segment_sum(jnp.ones((idx.shape[0],), dtype=node_info.dtype), idx, num_segments=num_hyperedges)
    count = jnp.clip(count, 1.0, None)[:, None]
    out = summed / count
    # update linear + activation
    out = jax.nn.relu(jnp.concatenate([out, hyperedge], axis=-1) @ W_upd + b_upd)
    # F.normalize(p=2, dim=-1, eps=1e-12)
    nrm = jnp.linalg.norm(out, ord=2, axis=-1, keepdims=True)
    out = out / jnp.maximum(nrm, 1e-12)
    return out

if __name__ == "__main__":
    import jax
    _d = setup_inputs()
    print(jax.jit(kernel)(*tuple(_d.values())))

</pallas_src>

<mosaic_0001>
#map = affine_map<(d0, d1) -> (0, 0)>
#map1 = affine_map<(d0, d1) -> (0)>
#map2 = affine_map<(d0, d1) -> (0, 0, 0)>
module attributes {stable_mosaic.version = 14 : i64} {
  func.func @_scatter_body(%arg0: i32, %arg1: i32, %arg2: memref<320000x128xf32, #tpu.memory_space<hbm>>, %arg3: memref<320000xi32, #tpu.memory_space<hbm>>, %arg4: memref<10240x128xf32, #tpu.memory_space<hbm>>, %arg5: memref<2x10240x128xf32, #tpu.memory_space<hbm>>, %arg6: memref<2x128x128xf32, #tpu.memory_space<hbm>>, %arg7: memref<112x128xf32, #tpu.memory_space<vmem>>, %arg8: memref<112x128xf32, #tpu.memory_space<vmem>>, %arg9: memref<112x128xf32, #tpu.memory_space<vmem>>, %arg10: memref<112xi32, #tpu.memory_space<vmem>>, %arg11: memref<112xi32, #tpu.memory_space<vmem>>, %arg12: memref<112xi32, #tpu.memory_space<vmem>>, %arg13: memref<32xi32, #tpu.memory_space<vmem>>, %arg14: memref<112xf32, #tpu.memory_space<vmem>>, %arg15: memref<640xf32, #tpu.memory_space<vmem>>, %arg16: memref<10240x128xf32, #tpu.memory_space<vmem_shared>>, %arg17: memref<10240xf32, #tpu.memory_space<vmem_shared>>, %arg18: memref<!tpu.dma_semaphore, #tpu.memory_space<semaphore_mem>>, %arg19: memref<!tpu.dma_semaphore, #tpu.memory_space<semaphore_mem>>, %arg20: memref<!tpu.dma_semaphore, #tpu.memory_space<semaphore_mem>>, %arg21: memref<!tpu.dma_semaphore, #tpu.memory_space<semaphore_mem>>, %arg22: memref<!tpu.dma_semaphore, #tpu.memory_space<semaphore_mem>>, %arg23: memref<!tpu.dma_semaphore, #tpu.memory_space<semaphore_mem>>, %arg24: memref<!tpu.dma_semaphore, #tpu.memory_space<semaphore_mem>>, %arg25: memref<!tpu.dma_semaphore, #tpu.memory_space<semaphore_mem>>, %arg26: memref<!tpu.dma_semaphore, #tpu.memory_space<semaphore_mem>>, %arg27: memref<!tpu.dma_semaphore, #tpu.memory_space<semaphore_mem>>, %arg28: memref<!tpu.dma_semaphore, #tpu.memory_space<semaphore_mem>>, %arg29: memref<!tpu.dma_semaphore, #tpu.memory_space<semaphore_mem>>) attributes {dimension_semantics = [#tpu.dimension_semantics<core_parallel>, #tpu.dimension_semantics<subcore_parallel>], iteration_bounds = array<i64: 2, 16>, scalar_prefetch = 0 : i64, scratch_operands = 23 : i64, tpu.core_type = #tpu.core_type<sc_vector_subcore>, window_params = [{transform_indices = #map}, {transform_indices = #map1}, {transform_indices = #map}, {transform_indices = #map2}, {transform_indices = #map2}]} {
    %broadcast_in_dim3A = arith.constant 1.000000e+00 : f32
    %broadcast_in_dim3A_0 = vector.broadcast %broadcast_in_dim3A : f32 to vector<16xf32>
    %broadcast_in_dim3A_1 = arith.constant 0.000000e+00 : f32
    %broadcast_in_dim3A_2 = vector.broadcast %broadcast_in_dim3A_1 : f32 to vector<16xf32>
    %swap3A = arith.constant 0 : index
    %swap3A_3 = tpu.vector_load %arg14[%swap3A] {strides = array<i32>} : memref<112xf32, #tpu.memory_space<vmem>>, vector<16xf32>,
    %swap3A_4 = vector.shape_cast %swap3A_3 : vector<16xf32> to vector<16xf32>
    %swap3A_5 = vector.shape_cast %broadcast_in_dim3A_0 : vector<16xf32> to vector<16xf32>
    tpu.vector_store %arg14[%swap3A], %swap3A_5 {strides = array<i32>} : memref<112xf32, #tpu.memory_space<vmem>>, vector<16xf32>,
    %swap3A_6 = arith.constant 16 : index
    %swap3A_7 = tpu.vector_load %arg14[%swap3A_6] {strides = array<i32>} : memref<112xf32, #tpu.memory_space<vmem>>, vector<16xf32>,
    %swap3A_8 = vector.shape_cast %swap3A_7 : vector<16xf32> to vector<16xf32>
    %swap3A_9 = vector.shape_cast %broadcast_in_dim3A_0 : vector<16xf32> to vector<16xf32>
    tpu.vector_store %arg14[%swap3A_6], %swap3A_9 {strides = array<i32>} : memref<112xf32, #tpu.memory_space<vmem>>, vector<16xf32>,
    %swap3A_10 = arith.constant 32 : index
    %swap3A_11 = tpu.vector_load %arg14[%swap3A_10] {strides = array<i32>} : memref<112xf32, #tpu.memory_space<vmem>>, vector<16xf32>,
    %swap3A_12 = vector.shape_cast %swap3A_11 : vector<16xf32> to vector<16xf32>
    %swap3A_13 = vector.shape_cast %broadcast_in_dim3A_0 : vector<16xf32> to vector<16xf32>
    tpu.vector_store %arg14[%swap3A_10], %swap3A_13 {strides = array<i32>} : memref<112xf32, #tpu.memory_space<vmem>>, vector<16xf32>,
    %swap3A_14 = arith.constant 48 : index
    %swap3A_15 = tpu.vector_load %arg14[%swap3A_14] {strides = array<i32>} : memref<112xf32, #tpu.memory_space<vmem>>, vector<16xf32>,
    %swap3A_16 = vector.shape_cast %swap3A_15 : vector<16xf32> to vector<16xf32>
    %swap3A_17 = vector.shape_cast %broadcast_in_dim3A_0 : vector<16xf32> to vector<16xf32>
    tpu.vector_store %arg14[%swap3A_14], %swap3A_17 {strides = array<i32>} : memref<112xf32, #tpu.memory_space<vmem>>, vector<16xf32>,
    %swap3A_18 = arith.constant 64 : index
    %swap3A_19 = tpu.vector_load %arg14[%swap3A_18] {strides = array<i32>} : memref<112xf32, #tpu.memory_space<vmem>>, vector<16xf32>,
    %swap3A_20 = vector.shape_cast %swap3A_19 : vector<16xf32> to vector<16xf32>
    %swap3A_21 = vector.shape_cast %broadcast_in_dim3A_0 : vector<16xf32> to vector<16xf32>
    tpu.vector_store %arg14[%swap3A_18], %swap3A_21 {strides = array<i32>} : memref<112xf32, #tpu.memory_space<vmem>>, vector<16xf32>,
    %swap3A_22 = arith.constant 80 : index
    %swap3A_23 = tpu.vector_load %arg14[%swap3A_22] {strides = array<i32>} : memref<112xf32, #tpu.memory_space<vmem>>, vector<16xf32>,
    %swap3A_24 = vector.shape_cast %swap3A_23 : vector<16xf32> to vector<16xf32>
    %swap3A_25 = vector.shape_cast %broadcast_in_dim3A_0 : vector<16xf32> to vector<16xf32>
    tpu.vector_store %arg14[%swap3A_22], %swap3A_25 {strides = array<i32>} : memref<112xf32, #tpu.memory_space<vmem>>, vector<16xf32>,
    %swap3A_26 = arith.constant 96 : index
    %swap3A_27 = tpu.vector_load %arg14[%swap3A_26] {strides = array<i32>} : memref<112xf32, #tpu.memory_space<vmem>>, vector<16xf32>,
    %swap3A_28 = vector.shape_cast %swap3A_27 : vector<16xf32> to vector<16xf32>
    %swap3A_29 = vector.shape_cast %broadcast_in_dim3A_0 : vector<16xf32> to vector<16xf32>
    tpu.vector_store %arg14[%swap3A_26], %swap3A_29 {strides = array<i32>} : memref<112xf32, #tpu.memory_space<vmem>>, vector<16xf32>,
    %swap3A_30 = arith.constant 0 : index
    %swap3A_31 = tpu.vector_load %arg15[%swap3A_30] {strides = array<i32>} : memref<640xf32, #tpu.memory_space<vmem>>, vector<16xf32>,
    %swap3A_32 = vector.shape_cast %swap3A_31 : vector<16xf32> to vector<16xf32>
    %swap3A_33 = vector.shape_cast %broadcast_in_dim3A_2 : vector<16xf32> to vector<16xf32>
    tpu.vector_store %arg15[%swap3A_30], %swap3A_33 {strides = array<i32>} : memref<640xf32, #tpu.memory_space<vmem>>, vector<16xf32>,
    %swap3A_34 = arith.constant 16 : index
    %swap3A_35 = tpu.vector_load %arg15[%swap3A_34] {strides = array<i32>} : memref<640xf32, #tpu.memory_space<vmem>>, vector<16xf32>,
    %swap3A_36 = vector.shape_cast %swap3A_35 : vector<16xf32> to vector<16xf32>
    %swap3A_37 = vector.shape_cast %broadcast_in_dim3A_2 : vector<16xf32> to vector<16xf32>
    tpu.vector_store %arg15[%swap3A_34], %swap3A_37 {strides = array<i32>} : memref<640xf32, #tpu.memory_space<vmem>>, vector<16xf32>,
    %swap3A_38 = arith.constant 32 : index
    %swap3A_39 = tpu.vector_load %arg15[%swap3A_38] {strides = array<i32>} : memref<640xf32, #tpu.memory_space<vmem>>, vector<16xf32>,
    %swap3A_40 = vector.shape_cast %swap3A_39 : vector<16xf32> to vector<16xf32>
    %swap3A_41 = vector.shape_cast %broadcast_in_dim3A_2 : vector<16xf32> to vector<16xf32>
    tpu.vector_store %arg15[%swap3A_38], %swap3A_41 {strides = array<i32>} : memref<640xf32, #tpu.memory_space<vmem>>, vector<16xf32>,
    %swap3A_42 = arith.constant 48 : index
    %swap3A_43 = tpu.vector_load %arg15[%swap3A_42] {strides = array<i32>} : memref<640xf32, #tpu.memory_space<vmem>>, vector<16xf32>,
    %swap3A_44 = vector.shape_cast %swap3A_43 : vector<16xf32> to vector<16xf32>
    %swap3A_45 = vector.shape_cast %broadcast_in_dim3A_2 : vector<16xf32> to vector<16xf32>
    tpu.vector_store %arg15[%swap3A_42], %swap3A_45 {strides = array<i32>} : memref<640xf32, #tpu.memory_space<vmem>>, vector<16xf32>,
    %swap3A_46 = arith.constant 64 : index
    %swap3A_47 = tpu.vector_load %arg15[%swap3A_46] {strides = array<i32>} : memref<640xf32, #tpu.memory_space<vmem>>, vector<16xf32>,
    %swap3A_48 = vector.shape_cast %swap3A_47 : vector<16xf32> to vector<16xf32>
    %swap3A_49 = vector.shape_cast %broadcast_in_dim3A_2 : vector<16xf32> to vector<16xf32>
    tpu.vector_store %arg15[%swap3A_46], %swap3A_49 {strides = array<i32>} : memref<640xf32, #tpu.memory_space<vmem>>, vector<16xf32>,
    %swap3A_50 = arith.constant 80 : index
    %swap3A_51 = tpu.vector_load %arg15[%swap3A_50] {strides = array<i32>} : memref<640xf32, #tpu.memory_space<vmem>>, vector<16xf32>,
    %swap3A_52 = vector.shape_cast %swap3A_51 : vector<16xf32> to vector<16xf32>
    %swap3A_53 = vector.shape_cast %broadcast_in_dim3A_2 : vector<16xf32> to vector<16xf32>
    tpu.vector_store %arg15[%swap3A_50], %swap3A_53 {strides = array<i32>} : memref<640xf32, #tpu.memory_space<vmem>>, vector<16xf32>,
    %swap3A_54 = arith.constant 96 : index
    %swap3A_55 = tpu.vector_load %arg15[%swap3A_54] {strides = array<i32>} : memref<640xf32, #tpu.memory_space<vmem>>, vector<16xf32>,
    %swap3A_56 = vector.shape_cast %swap3A_55 : vector<16xf32> to vector<16xf32>
    %swap3A_57 = vector.shape_cast %broadcast_in_dim3A_2 : vector<16xf32> to vector<16xf32>
    tpu.vector_store %arg15[%swap3A_54], %swap3A_57 {strides = array<i32>} : memref<640xf32, #tpu.memory_space<vmem>>, vector<16xf32>,
    %swap3A_58 = arith.constant 112 : index
    %swap3A_59 = tpu.vector_load %arg15[%swap3A_58] {strides = array<i32>} : memref<640xf32, #tpu.memory_space<vmem>>, vector<16xf32>,
    %swap3A_60 = vector.shape_cast %swap3A_59 : vector<16xf32> to vector<16xf32>
    %swap3A_61 = vector.shape_cast %broadcast_in_dim3A_2 : vector<16xf32> to vector<16xf32>
    tpu.vector_store %arg15[%swap3A_58], %swap3A_61 {strides = array<i32>} : memref<640xf32, #tpu.memory_space<vmem>>, vector<16xf32>,
    %swap3A_62 = arith.constant 128 : index
    %swap3A_63 = tpu.vector_load %arg15[%swap3A_62] {strides = array<i32>} : memref<640xf32, #tpu.memory_space<vmem>>, vector<16xf32>,
    %swap3A_64 = vector.shape_cast %swap3A_63 : vector<16xf32> to vector<16xf32>
    %swap3A_65 = vector.shape_cast %broadcast_in_dim3A_2 : vector<16xf32> to vector<16xf32>
    tpu.vector_store %arg15[%swap3A_62], %swap3A_65 {strides = array<i32>} : memref<640xf32, #tpu.memory_space<vmem>>, vector<16xf32>,
    %swap3A_66 = arith.constant 144 : index
    %swap3A_67 = tpu.vector_load %arg15[%swap3A_66] {strides = array<i32>} : memref<640xf32, #tpu.memory_space<vmem>>, vector<16xf32>,
    %swap3A_68 = vector.shape_cast %swap3A_67 : vector<16xf32> to vector<16xf32>
    %swap3A_69 = vector.shape_cast %broadcast_in_dim3A_2 : vector<16xf32> to vector<16xf32>
    tpu.vector_store %arg15[%swap3A_66], %swap3A_69 {strides = array<i32>} : memref<640xf32, #tpu.memory_space<vmem>>, vector<16xf32>,
    %swap3A_70 = arith.constant 160 : index
    %swap3A_71 = tpu.vector_load %arg15[%swap3A_70] {strides = array<i32>} : memref<640xf32, #tpu.memory_space<vmem>>, vector<16xf32>,
    %swap3A_72 = vector.shape_cast %swap3A_71 : vector<16xf32> to vector<16xf32>
    %swap3A_73 = vector.shape_cast %broadcast_in_dim3A_2 : vector<16xf32> to vector<16xf32>
    tpu.vector_store %arg15[%swap3A_70], %swap3A_73 {strides = array<i32>} : memref<640xf32, #tpu.memory_space<vmem>>, vector<16xf32>,
    %swap3A_74 = arith.constant 176 : index
    %swap3A_75 = tpu.vector_load %arg15[%swap3A_74] {strides = array<i32>} : memref<640xf32, #tpu.memory_space<vmem>>, vector<16xf32>,
    %swap3A_76 = vector.shape_cast %swap3A_75 : vector<16xf32> to vector<16xf32>
    %swap3A_77 = vector.shape_cast %broadcast_in_dim3A_2 : vector<16xf32> to vector<16xf32>
    tpu.vector_store %arg15[%swap3A_74], %swap3A_77 {strides = array<i32>} : memref<640xf32, #tpu.memory_space<vmem>>, vector<16xf32>,
    %swap3A_78 = arith.constant 192 : index
    %swap3A_79 = tpu.vector_load %arg15[%swap3A_78] {strides = array<i32>} : memref<640xf32, #tpu.memory_space<vmem>>, vector<16xf32>,
    %swap3A_80 = vector.shape_cast %swap3A_79 : vector<16xf32> to vector<16xf32>
    %swap3A_81 = vector.shape_cast %broadcast_in_dim3A_2 : vector<16xf32> to vector<16xf32>
    tpu.vector_store %arg15[%swap3A_78], %swap3A_81 {strides = array<i32>} : memref<640xf32, #tpu.memory_space<vmem>>, vector<16xf32>,
    %swap3A_82 = arith.constant 208 : index
    %swap3A_83 = tpu.vector_load %arg15[%swap3A_82] {strides = array<i32>} : memref<640xf32, #tpu.memory_space<vmem>>, vector<16xf32>,
    %swap3A_84 = vector.shape_cast %swap3A_83 : vector<16xf32> to vector<16xf32>
    %swap3A_85 = vector.shape_cast %broadcast_in_dim3A_2 : vector<16xf32> to vector<16xf32>
    tpu.vector_store %arg15[%swap3A_82], %swap3A_85 {strides = array<i32>} : memref<640xf32, #tpu.memory_space<vmem>>, vector<16xf32>,
    %swap3A_86 = arith.constant 224 : index
    %swap3A_87 = tpu.vector_load %arg15[%swap3A_86] {strides = array<i32>} : memref<640xf32, #tpu.memory_space<vmem>>, vector<16xf32>,
    %swap3A_88 = vector.shape_cast %swap3A_87 : vector<16xf32> to vector<16xf32>
    %swap3A_89 = vector.shape_cast %broadcast_in_dim3A_2 : vector<16xf32> to vector<16xf32>
    tpu.vector_store %arg15[%swap3A_86], %swap3A_89 {strides = array<i32>} : memref<640xf32, #tpu.memory_space<vmem>>, vector<16xf32>,
    %swap3A_90 = arith.constant 240 : index
    %swap3A_91 = tpu.vector_load %arg15[%swap3A_90] {strides = array<i32>} : memref<640xf32, #tpu.memory_space<vmem>>, vector<16xf32>,
    %swap3A_92 = vector.shape_cast %swap3A_91 : vector<16xf32> to vector<16xf32>
    %swap3A_93 = vector.shape_cast %broadcast_in_dim3A_2 : vector<16xf32> to vector<16xf32>
    tpu.vector_store %arg15[%swap3A_90], %swap3A_93 {strides = array<i32>} : memref<640xf32, #tpu.memory_space<vmem>>, vector<16xf32>,
    %swap3A_94 = arith.constant 256 : index
    %swap3A_95 = tpu.vector_load %arg15[%swap3A_94] {strides = array<i32>} : memref<640xf32, #tpu.memory_space<vmem>>, vector<16xf32>,
    %swap3A_96 = vector.shape_cast %swap3A_95 : vector<16xf32> to vector<16xf32>
    %swap3A_97 = vector.shape_cast %broadcast_in_dim3A_2 : vector<16xf32> to vector<16xf32>
    tpu.vector_store %arg15[%swap3A_94], %swap3A_97 {strides = array<i32>} : memref<640xf32, #tpu.memory_space<vmem>>, vector<16xf32>,
    %swap3A_98 = arith.constant 272 : index
    %swap3A_99 = tpu.vector_load %arg15[%swap3A_98] {strides = array<i32>} : memref<640xf32, #tpu.memory_space<vmem>>, vector<16xf32>,
    %swap3A_100 = vector.shape_cast %swap3A_99 : vector<16xf32> to vector<16xf32>
    %swap3A_101 = vector.shape_cast %broadcast_in_dim3A_2 : vector<16xf32> to vector<16xf32>
    tpu.vector_store %arg15[%swap3A_98], %swap3A_101 {strides = array<i32>} : memref<640xf32, #tpu.memory_space<vmem>>, vector<16xf32>,
    %swap3A_102 = arith.constant 288 : index
    %swap3A_103 = tpu.vector_load %arg15[%swap3A_102] {strides = array<i32>} : memref<640xf32, #tpu.memory_space<vmem>>, vector<16xf32>,
    %swap3A_104 = vector.shape_cast %swap3A_103 : vector<16xf32> to vector<16xf32>
    %swap3A_105 = vector.shape_cast %broadcast_in_dim3A_2 : vector<16xf32> to vector<16xf32>
    tpu.vector_store %arg15[%swap3A_102], %swap3A_105 {strides = array<i32>} : memref<640xf32, #tpu.memory_space<vmem>>, vector<16xf32>,
    %swap3A_106 = arith.constant 304 : index
    %swap3A_107 = tpu.vector_load %arg15[%swap3A_106] {strides = array<i32>} : memref<640xf32, #tpu.memory_space<vmem>>, vector<16xf32>,
    %swap3A_108 = vector.shape_cast %swap3A_107 : vector<16xf32> to vector<16xf32>
    %swap3A_109 = vector.shape_cast %broadcast_in_dim3A_2 : vector<16xf32> to vector<16xf32>
    tpu.vector_store %arg15[%swap3A_106], %swap3A_109 {strides = array<i32>} : memref<640xf32, #tpu.memory_space<vmem>>, vector<16xf32>,
    %swap3A_110 = arith.constant 320 : index
    %swap3A_111 = tpu.vector_load %arg15[%swap3A_110] {strides = array<i32>} : memref<640xf32, #tpu.memory_space<vmem>>, vector<16xf32>,
    %swap3A_112 = vector.shape_cast %swap3A_111 : vector<16xf32> to vector<16xf32>
    %swap3A_113 = vector.shape_cast %broadcast_in_dim3A_2 : vector<16xf32> to vector<16xf32>
    tpu.vector_store %arg15[%swap3A_110], %swap3A_113 {strides = array<i32>} : memref<640xf32, #tpu.memory_space<vmem>>, vector<16xf32>,
    %swap3A_114 = arith.constant 336 : index
    %swap3A_115 = tpu.vector_load %arg15[%swap3A_114] {strides = array<i32>} : memref<640xf32, #tpu.memory_space<vmem>>, vector<16xf32>,
    %swap3A_116 = vector.shape_cast %swap3A_115 : vector<16xf32> to vector<16xf32>
    %swap3A_117 = vector.shape_cast %broadcast_in_dim3A_2 : vector<16xf32> to vector<16xf32>
    tpu.vector_store %arg15[%swap3A_114], %swap3A_117 {strides = array<i32>} : memref<640xf32, #tpu.memory_space<vmem>>, vector<16xf32>,
    %swap3A_118 = arith.constant 352 : index
    %swap3A_119 = tpu.vector_load %arg15[%swap3A_118] {strides = array<i32>} : memref<640xf32, #tpu.memory_space<vmem>>, vector<16xf32>,
    %swap3A_120 = vector.shape_cast %swap3A_119 : vector<16xf32> to vector<16xf32>
    %swap3A_121 = vector.shape_cast %broadcast_in_dim3A_2 : vector<16xf32> to vector<16xf32>
    tpu.vector_store %arg15[%swap3A_118], %swap3A_121 {strides = array<i32>} : memref<640xf32, #tpu.memory_space<vmem>>, vector<16xf32>,
    %swap3A_122 = arith.constant 368 : index
    %swap3A_123 = tpu.vector_load %arg15[%swap3A_122] {strides = array<i32>} : memref<640xf32, #tpu.memory_space<vmem>>, vector<16xf32>,
    %swap3A_124 = vector.shape_cast %swap3A_123 : vector<16xf32> to vector<16xf32>
    %swap3A_125 = vector.shape_cast %broadcast_in_dim3A_2 : vector<16xf32> to vector<16xf32>
    tpu.vector_store %arg15[%swap3A_122], %swap3A_125 {strides = array<i32>} : memref<640xf32, #tpu.memory_space<vmem>>, vector<16xf32>,
    %swap3A_126 = arith.constant 384 : index
    %swap3A_127 = tpu.vector_load %arg15[%swap3A_126] {strides = array<i32>} : memref<640xf32, #tpu.memory_space<vmem>>, vector<16xf32>,
    %swap3A_128 = vector.shape_cast %swap3A_127 : vector<16xf32> to vector<16xf32>
    %swap3A_129 = vector.shape_cast %broadcast_in_dim3A_2 : vector<16xf32> to vector<16xf32>
    tpu.vector_store %arg15[%swap3A_126], %swap3A_129 {strides = array<i32>} : memref<640xf32, #tpu.memory_space<vmem>>, vector<16xf32>,
    %swap3A_130 = arith.constant 400 : index
    %swap3A_131 = tpu.vector_load %arg15[%swap3A_130] {strides = array<i32>} : memref<640xf32, #tpu.memory_space<vmem>>, vector<16xf32>,
    %swap3A_132 = vector.shape_cast %swap3A_131 : vector<16xf32> to vector<16xf32>
    %swap3A_133 = vector.shape_cast %broadcast_in_dim3A_2 : vector<16xf32> to vector<16xf32>
    tpu.vector_store %arg15[%swap3A_130], %swap3A_133 {strides = array<i32>} : memref<640xf32, #tpu.memory_space<vmem>>, vector<16xf32>,
    %swap3A_134 = arith.constant 416 : index
    %swap3A_135 = tpu.vector_load %arg15[%swap3A_134] {strides = array<i32>} : memref<640xf32, #tpu.memory_space<vmem>>, vector<16xf32>,
    %swap3A_136 = vector.shape_cast %swap3A_135 : vector<16xf32> to vector<16xf32>
    %swap3A_137 = vector.shape_cast %broadcast_in_dim3A_2 : vector<16xf32> to vector<16xf32>
    tpu.vector_store %arg15[%swap3A_134], %swap3A_137 {strides = array<i32>} : memref<640xf32, #tpu.memory_space<vmem>>, vector<16xf32>,
    %swap3A_138 = arith.constant 432 : index
    %swap3A_139 = tpu.vector_load %arg15[%swap3A_138] {strides = array<i32>} : memref<640xf32, #tpu.memory_space<vmem>>, vector<16xf32>,
    %swap3A_140 = vector.shape_cast %swap3A_139 : vector<16xf32> to vector<16xf32>
    %swap3A_141 = vector.shape_cast %broadcast_in_dim3A_2 : vector<16xf32> to vector<16xf32>
    tpu.vector_store %arg15[%swap3A_138], %swap3A_141 {strides = array<i32>} : memref<640xf32, #tpu.memory_space<vmem>>, vector<16xf32>,
    %swap3A_142 = arith.constant 448 : index
    %swap3A_143 = tpu.vector_load %arg15[%swap3A_142] {strides = array<i32>} : memref<640xf32, #tpu.memory_space<vmem>>, vector<16xf32>,
    %swap3A_144 = vector.shape_cast %swap3A_143 : vector<16xf32> to vector<16xf32>
    %swap3A_145 = vector.shape_cast %broadcast_in_dim3A_2 : vector<16xf32> to vector<16xf32>
    tpu.vector_store %arg15[%swap3A_142], %swap3A_145 {strides = array<i32>} : memref<640xf32, #tpu.memory_space<vmem>>, vector<16xf32>,
    %swap3A_146 = arith.constant 464 : index
    %swap3A_147 = tpu.vector_load %arg15[%swap3A_146] {strides = array<i32>} : memref<640xf32, #tpu.memory_space<vmem>>, vector<16xf32>,
    %swap3A_148 = vector.shape_cast %swap3A_147 : vector<16xf32> to vector<16xf32>
    %swap3A_149 = vector.shape_cast %broadcast_in_dim3A_2 : vector<16xf32> to vector<16xf32>
    tpu.vector_store %arg15[%swap3A_146], %swap3A_149 {strides = array<i32>} : memref<640xf32, #tpu.memory_space<vmem>>, vector<16xf32>,
    %swap3A_150 = arith.constant 480 : index
    %swap3A_151 = tpu.vector_load %arg15[%swap3A_150] {strides = array<i32>} : memref<640xf32, #tpu.memory_space<vmem>>, vector<16xf32>,
    %swap3A_152 = vector.shape_cast %swap3A_151 : vector<16xf32> to vector<16xf32>
    %swap3A_153 = vector.shape_cast %broadcast_in_dim3A_2 : vector<16xf32> to vector<16xf32>
    tpu.vector_store %arg15[%swap3A_150], %swap3A_153 {strides = array<i32>} : memref<640xf32, #tpu.memory_space<vmem>>, vector<16xf32>,
    %swap3A_154 = arith.constant 496 : index
    %swap3A_155 = tpu.vector_load %arg15[%swap3A_154] {strides = array<i32>} : memref<640xf32, #tpu.memory_space<vmem>>, vector<16xf32>,
    %swap3A_156 = vector.shape_cast %swap3A_155 : vector<16xf32> to vector<16xf32>
    %swap3A_157 = vector.shape_cast %broadcast_in_dim3A_2 : vector<16xf32> to vector<16xf32>
    tpu.vector_store %arg15[%swap3A_154], %swap3A_157 {strides = array<i32>} : memref<640xf32, #tpu.memory_space<vmem>>, vector<16xf32>,
    %swap3A_158 = arith.constant 512 : index
    %swap3A_159 = tpu.vector_load %arg15[%swap3A_158] {strides = array<i32>} : memref<640xf32, #tpu.memory_space<vmem>>, vector<16xf32>,
    %swap3A_160 = vector.shape_cast %swap3A_159 : vector<16xf32> to vector<16xf32>
    %swap3A_161 = vector.shape_cast %broadcast_in_dim3A_2 : vector<16xf32> to vector<16xf32>
    tpu.vector_store %arg15[%swap3A_158], %swap3A_161 {strides = array<i32>} : memref<640xf32, #tpu.memory_space<vmem>>, vector<16xf32>,
    %swap3A_162 = arith.constant 528 : index
    %swap3A_163 = tpu.vector_load %arg15[%swap3A_162] {strides = array<i32>} : memref<640xf32, #tpu.memory_space<vmem>>, vector<16xf32>,
    %swap3A_164 = vector.shape_cast %swap3A_163 : vector<16xf32> to vector<16xf32>
    %swap3A_165 = vector.shape_cast %broadcast_in_dim3A_2 : vector<16xf32> to vector<16xf32>
    tpu.vector_store %arg15[%swap3A_162], %swap3A_165 {strides = array<i32>} : memref<640xf32, #tpu.memory_space<vmem>>, vector<16xf32>,
    %swap3A_166 = arith.constant 544 : index
    %swap3A_167 = tpu.vector_load %arg15[%swap3A_166] {strides = array<i32>} : memref<640xf32, #tpu.memory_space<vmem>>, vector<16xf32>,
    %swap3A_168 = vector.shape_cast %swap3A_167 : vector<16xf32> to vector<16xf32>
    %swap3A_169 = vector.shape_cast %broadcast_in_dim3A_2 : vector<16xf32> to vector<16xf32>
    tpu.vector_store %arg15[%swap3A_166], %swap3A_169 {strides = array<i32>} : memref<640xf32, #tpu.memory_space<vmem>>, vector<16xf32>,
    %swap3A_170 = arith.constant 560 : index
    %swap3A_171 = tpu.vector_load %arg15[%swap3A_170] {strides = array<i32>} : memref<640xf32, #tpu.memory_space<vmem>>, vector<16xf32>,
    %swap3A_172 = vector.shape_cast %swap3A_171 : vector<16xf32> to vector<16xf32>
    %swap3A_173 = vector.shape_cast %broadcast_in_dim3A_2 : vector<16xf32> to vector<16xf32>
    tpu.vector_store %arg15[%swap3A_170], %swap3A_173 {strides = array<i32>} : memref<640xf32, #tpu.memory_space<vmem>>, vector<16xf32>,
    %swap3A_174 = arith.constant 576 : index
    %swap3A_175 = tpu.vector_load %arg15[%swap3A_174] {strides = array<i32>} : memref<640xf32, #tpu.memory_space<vmem>>, vector<16xf32>,
    %swap3A_176 = vector.shape_cast %swap3A_175 : vector<16xf32> to vector<16xf32>
    %swap3A_177 = vector.shape_cast %broadcast_in_dim3A_2 : vector<16xf32> to vector<16xf32>
    tpu.vector_store %arg15[%swap3A_174], %swap3A_177 {strides = array<i32>} : memref<640xf32, #tpu.memory_space<vmem>>, vector<16xf32>,
    %swap3A_178 = arith.constant 592 : index
    %swap3A_179 = tpu.vector_load %arg15[%swap3A_178] {strides = array<i32>} : memref<640xf32, #tpu.memory_space<vmem>>, vector<16xf32>,
    %swap3A_180 = vector.shape_cast %swap3A_179 : vector<16xf32> to vector<16xf32>
    %swap3A_181 = vector.shape_cast %broadcast_in_dim3A_2 : vector<16xf32> to vector<16xf32>
    tpu.vector_store %arg15[%swap3A_178], %swap3A_181 {strides = array<i32>} : memref<640xf32, #tpu.memory_space<vmem>>, vector<16xf32>,
    %swap3A_182 = arith.constant 608 : index
    %swap3A_183 = tpu.vector_load %arg15[%swap3A_182] {strides = array<i32>} : memref<640xf32, #tpu.memory_space<vmem>>, vector<16xf32>,
    %swap3A_184 = vector.shape_cast %swap3A_183 : vector<16xf32> to vector<16xf32>
    %swap3A_185 = vector.shape_cast %broadcast_in_dim3A_2 : vector<16xf32> to vector<16xf32>
    tpu.vector_store %arg15[%swap3A_182], %swap3A_185 {strides = array<i32>} : memref<640xf32, #tpu.memory_space<vmem>>, vector<16xf32>,
    %swap3A_186 = arith.constant 624 : index
    %swap3A_187 = tpu.vector_load %arg15[%swap3A_186] {strides = array<i32>} : memref<640xf32, #tpu.memory_space<vmem>>, vector<16xf32>,
    %swap3A_188 = vector.shape_cast %swap3A_187 : vector<16xf32> to vector<16xf32>
    %swap3A_189 = vector.shape_cast %broadcast_in_dim3A_2 : vector<16xf32> to vector<16xf32>
    tpu.vector_store %arg15[%swap3A_186], %swap3A_189 {strides = array<i32>} : memref<640xf32, #tpu.memory_space<vmem>>, vector<16xf32>,
    %mul3A = arith.constant 640 : i32
    %mul3A_190 = arith.muli %arg1, %mul3A : i32
    %multiple_of3A = tpu.assume_multiple %mul3A_190, 8 : i32
    "tpu.region"() ({
      %run_scoped3A = tpu.sem_alloc : memref<!tpu.dma_semaphore, #tpu.memory_space<semaphore_mem>>
      %dma_start3A_677 = arith.constant 0 : i32
      %dma_start3A_678 = tpu.memref_slice %arg16[%multiple_of3A, %dma_start3A_677] : memref<10240x128xf32, #tpu.memory_space<vmem_shared>> -> memref<640x128xf32, #tpu.memory_space<vmem_shared>>
      %dma_start3A_679 = arith.constant 0 : i32
      %dma_start3A_680 = tpu.memref_slice %arg4[%multiple_of3A, %dma_start3A_679] : memref<10240x128xf32, #tpu.memory_space<hbm>> -> memref<640x128xf32, #tpu.memory_space<hbm>>
      tpu.enqueue_dma source(%dma_start3A_680 : memref<640x128xf32, #tpu.memory_space<hbm>>) target(%dma_start3A_678 : memref<640x128xf32, #tpu.memory_space<vmem_shared>>) target_semaphore(%run_scoped3A : memref<!tpu.dma_semaphore, #tpu.memory_space<semaphore_mem>>)
      %dma_wait3A_681 = arith.constant 0 : i32
      %dma_wait3A_682 = tpu.memref_slice %arg16[%multiple_of3A, %dma_wait3A_681] : memref<10240x128xf32, #tpu.memory_space<vmem_shared>> -> memref<640x128xf32, #tpu.memory_space<vmem_shared>>
      %dma_wait3A_683 = arith.constant 0 : i32
      %dma_wait3A_684 = tpu.memref_slice %arg4[%multiple_of3A, %dma_wait3A_683] : memref<10240x128xf32, #tpu.memory_space<hbm>> -> memref<640x128xf32, #tpu.memory_space<hbm>>
      tpu.wait_dma2 semaphore(%run_scoped3A : memref<!tpu.dma_semaphore, #tpu.memory_space<semaphore_mem>>) src(%dma_wait3A_684 : memref<640x128xf32, #tpu.memory_space<hbm>>) dst(%dma_wait3A_682 : memref<640x128xf32, #tpu.memory_space<vmem_shared>>)
      tpu.yield
    }) : () -> ()
    "tpu.region"() ({
      %run_scoped3A = tpu.sem_alloc : memref<!tpu.dma_semaphore, #tpu.memory_space<semaphore_mem>>
      %dma_start3A_677 = tpu.memref_slice %arg17[%multiple_of3A] : memref<10240xf32, #tpu.memory_space<vmem_shared>> -> memref<640xf32, #tpu.memory_space<vmem_shared>>
      %dma_start3A_678 = tpu.memref_slice %arg17[%multiple_of3A] : memref<10240xf32, #tpu.memory_space<vmem_shared>> -> memref<640xf32, #tpu.memory_space<vmem_shared>>
      tpu.enqueue_dma source(%arg15 : memref<640xf32, #tpu.memory_space<vmem>>) target(%dma_start3A_678 : memref<640xf32, #tpu.memory_space<vmem_shared>>) target_semaphore(%run_scoped3A : memref<!tpu.dma_semaphore, #tpu.memory_space<semaphore_mem>>)
      %dma_wait3A_679 = tpu.memref_slice %arg17[%multiple_of3A] : memref<10240xf32, #tpu.memory_space<vmem_shared>> -> memref<640xf32, #tpu.memory_space<vmem_shared>>
      %dma_wait3A_680 = tpu.memref_slice %arg17[%multiple_of3A] : memref<10240xf32, #tpu.memory_space<vmem_shared>> -> memref<640xf32, #tpu.memory_space<vmem_shared>>
      tpu.wait_dma2 semaphore(%run_scoped3A : memref<!tpu.dma_semaphore, #tpu.memory_space<semaphore_mem>>) src(%arg15 : memref<640xf32, #tpu.memory_space<vmem>>) dst(%dma_wait3A_680 : memref<640xf32, #tpu.memory_space<vmem_shared>>)
      tpu.yield
    }) : () -> ()
    %barrier3A = arith.constant 0 : index
    tpu.barrier barrier_id(%barrier3A)
    %mul3A_191 = arith.constant 160000 : i32
    %mul3A_192 = arith.muli %arg0, %mul3A_191 : i32
    %mul3A_193 = arith.constant 10000 : i32
    %mul3A_194 = arith.muli %arg1, %mul3A_193 : i32
    %add3A = arith.addi %mul3A_192, %mul3A_194 : i32
    %jit3A = arith.constant true
    %jit3A_195 = arith.constant 0 : i32
    %jit3A_196 = arith.constant 0 : i32
    %select_n3A = arith.select %jit3A, %jit3A_195, %jit3A_196 : i32
    %mul3A_197 = arith.constant 112 : i32
    %mul3A_198 = arith.muli %select_n3A, %mul3A_197 : i32
    %add3A_199 = arith.addi %add3A, %mul3A_198 : i32
    %multiple_of3A_200 = tpu.assume_multiple %add3A_199, 8 : i32
    %dma_start3A = arith.constant 0 : i32
    %dma_start3A_201 = tpu.memref_slice %arg2[%multiple_of3A_200, %dma_start3A] : memref<320000x128xf32, #tpu.memory_space<hbm>> -> memref<112x128xf32, #tpu.memory_space<hbm>>
    %dma_start3A_202 = arith.constant 0 : i32
    %dma_start3A_203 = tpu.memref_slice %arg2[%multiple_of3A_200, %dma_start3A_202] : memref<320000x128xf32, #tpu.memory_space<hbm>> -> memref<112x128xf32, #tpu.memory_space<hbm>>
    tpu.enqueue_dma source(%dma_start3A_203 : memref<112x128xf32, #tpu.memory_space<hbm>>) target(%arg7 : memref<112x128xf32, #tpu.memory_space<vmem>>) target_semaphore(%arg18 : memref<!tpu.dma_semaphore, #tpu.memory_space<semaphore_mem>>)
    %dma_start3A_204 = tpu.memref_slice %arg3[%multiple_of3A_200] : memref<320000xi32, #tpu.memory_space<hbm>> -> memref<112xi32, #tpu.memory_space<hbm>>
    %dma_start3A_205 = tpu.memref_slice %arg3[%multiple_of3A_200] : memref<320000xi32, #tpu.memory_space<hbm>> -> memref<112xi32, #tpu.memory_space<hbm>>
    tpu.enqueue_dma source(%dma_start3A_205 : memref<112xi32, #tpu.memory_space<hbm>>) target(%arg10 : memref<112xi32, #tpu.memory_space<vmem>>) target_semaphore(%arg21 : memref<!tpu.dma_semaphore, #tpu.memory_space<semaphore_mem>>)
    %jit3A_206 = arith.constant true
    %jit3A_207 = arith.constant 1 : i32
    %jit3A_208 = arith.constant 0 : i32
    %select_n3A_209 = arith.select %jit3A_206, %jit3A_207, %jit3A_208 : i32
    %mul3A_210 = arith.constant 112 : i32
    %mul3A_211 = arith.muli %select_n3A_209, %mul3A_210 : i32
    %add3A_212 = arith.addi %add3A, %mul3A_211 : i32
    %multiple_of3A_213 = tpu.assume_multiple %add3A_212, 8 : i32
    %dma_start3A_214 = arith.constant 0 : i32
    %dma_start3A_215 = tpu.memref_slice %arg2[%multiple_of3A_213, %dma_start3A_214] : memref<320000x128xf32, #tpu.memory_space<hbm>> -> memref<112x128xf32, #tpu.memory_space<hbm>>
    %dma_start3A_216 = arith.constant 0 : i32
    %dma_start3A_217 = tpu.memref_slice %arg2[%multiple_of3A_213, %dma_start3A_216] : memref<320000x128xf32, #tpu.memory_space<hbm>> -> memref<112x128xf32, #tpu.memory_space<hbm>>
    tpu.enqueue_dma source(%dma_start3A_217 : memref<112x128xf32, #tpu.memory_space<hbm>>) target(%arg8 : memref<112x128xf32, #tpu.memory_space<vmem>>) target_semaphore(%arg19 : memref<!tpu.dma_semaphore, #tpu.memory_space<semaphore_mem>>)
    %dma_start3A_218 = tpu.memref_slice %arg3[%multiple_of3A_213] : memref<320000xi32, #tpu.memory_space<hbm>> -> memref<112xi32, #tpu.memory_space<hbm>>
    %dma_start3A_219 = tpu.memref_slice %arg3[%multiple_of3A_213] : memref<320000xi32, #tpu.memory_space<hbm>> -> memref<112xi32, #tpu.memory_space<hbm>>
    tpu.enqueue_dma source(%dma_start3A_219 : memref<112xi32, #tpu.memory_space<hbm>>) target(%arg11 : memref<112xi32, #tpu.memory_space<vmem>>) target_semaphore(%arg22 : memref<!tpu.dma_semaphore, #tpu.memory_space<semaphore_mem>>)
    %dma_wait3A = arith.constant 0 : i32
    %dma_wait3A_220 = arith.constant 0 : i32
    %dma_wait3A_221 = tpu.memref_slice %arg2[%dma_wait3A, %dma_wait3A_220] : memref<320000x128xf32, #tpu.memory_space<hbm>> -> memref<112x128xf32, #tpu.memory_space<hbm>>
    %dma_wait3A_222 = arith.constant 0 : i32
    %dma_wait3A_223 = arith.constant 0 : i32
    %dma_wait3A_224 = tpu.memref_slice %arg2[%dma_wait3A_222, %dma_wait3A_223] : memref<320000x128xf32, #tpu.memory_space<hbm>> -> memref<112x128xf32, #tpu.memory_space<hbm>>
    tpu.wait_dma2 semaphore(%arg18 : memref<!tpu.dma_semaphore, #tpu.memory_space<semaphore_mem>>) src(%dma_wait3A_224 : memref<112x128xf32, #tpu.memory_space<hbm>>) dst(%arg7 : memref<112x128xf32, #tpu.memory_space<vmem>>)
    %dma_wait3A_225 = arith.constant 0 : i32
    %dma_wait3A_226 = tpu.memref_slice %arg3[%dma_wait3A_225] : memref<320000xi32, #tpu.memory_space<hbm>> -> memref<112xi32, #tpu.memory_space<hbm>>
    %dma_wait3A_227 = arith.constant 0 : i32
    %dma_wait3A_228 = tpu.memref_slice %arg3[%dma_wait3A_227] : memref<320000xi32, #tpu.memory_space<hbm>> -> memref<112xi32, #tpu.memory_space<hbm>>
    tpu.wait_dma2 semaphore(%arg21 : memref<!tpu.dma_semaphore, #tpu.memory_space<semaphore_mem>>) src(%dma_wait3A_228 : memref<112xi32, #tpu.memory_space<hbm>>) dst(%arg10 : memref<112xi32, #tpu.memory_space<vmem>>)
    %dma_start3A_229 = arith.constant 0 : i32
    %dma_start3A_230 = arith.constant 0 : i32
    %dma_start3A_231 = tpu.memref_slice %arg16[%dma_start3A_229, %dma_start3A_230] : memref<10240x128xf32, #tpu.memory_space<vmem_shared>> -> memref<10240x128xf32, #tpu.memory_space<vmem_shared>>
    tpu.enqueue_indirect_dma source(%arg7 : memref<112x128xf32, #tpu.memory_space<vmem>>) target(%dma_start3A_231 : memref<10240x128xf32, #tpu.memory_space<vmem_shared>>) offsets(%arg10 : memref<112xi32, #tpu.memory_space<vmem>>) semaphore(%arg24 : memref<!tpu.dma_semaphore, #tpu.memory_space<semaphore_mem>>) {add = true}
    %dma_start3A_232 = arith.constant 0 : i32
    %dma_start3A_233 = tpu.memref_slice %arg17[%dma_start3A_232] : memref<10240xf32, #tpu.memory_space<vmem_shared>> -> memref<10240xf32, #tpu.memory_space<vmem_shared>>
    tpu.enqueue_indirect_dma source(%arg14 : memref<112xf32, #tpu.memory_space<vmem>>) target(%dma_start3A_233 : memref<10240xf32, #tpu.memory_space<vmem_shared>>) offsets(%arg10 : memref<112xi32, #tpu.memory_space<vmem>>) semaphore(%arg27 : memref<!tpu.dma_semaphore, #tpu.memory_space<semaphore_mem>>) {add = true}
    %jit3A_234 = arith.constant true
    %jit3A_235 = arith.constant 2 : i32
    %jit3A_236 = arith.constant 0 : i32
    %select_n3A_237 = arith.select %jit3A_234, %jit3A_235, %jit3A_236 : i32
    %mul3A_238 = arith.constant 112 : i32
    %mul3A_239 = arith.muli %select_n3A_237, %mul3A_238 : i32
    %add3A_240 = arith.addi %add3A, %mul3A_239 : i32
    %multiple_of3A_241 = tpu.assume_multiple %add3A_240, 8 : i32
    %dma_start3A_242 = arith.constant 0 : i32
    %dma_start3A_243 = tpu.memref_slice %arg2[%multiple_of3A_241, %dma_start3A_242] : memref<320000x128xf32, #tpu.memory_space<hbm>> -> memref<112x128xf32, #tpu.memory_space<hbm>>
    %dma_start3A_244 = arith.constant 0 : i32
    %dma_start3A_245 = tpu.memref_slice %arg2[%multiple_of3A_241, %dma_start3A_244] : memref<320000x128xf32, #tpu.memory_space<hbm>> -> memref<112x128xf32, #tpu.memory_space<hbm>>
    tpu.enqueue_dma source(%dma_start3A_245 : memref<112x128xf32, #tpu.memory_space<hbm>>) target(%arg9 : memref<112x128xf32, #tpu.memory_space<vmem>>) target_semaphore(%arg20 : memref<!tpu.dma_semaphore, #tpu.memory_space<semaphore_mem>>)
    %dma_start3A_246 = tpu.memref_slice %arg3[%multiple_of3A_241] : memref<320000xi32, #tpu.memory_space<hbm>> -> memref<112xi32, #tpu.memory_space<hbm>>
    %dma_start3A_247 = tpu.memref_slice %arg3[%multiple_of3A_241] : memref<320000xi32, #tpu.memory_space<hbm>> -> memref<112xi32, #tpu.memory_space<hbm>>
    tpu.enqueue_dma source(%dma_start3A_247 : memref<112xi32, #tpu.memory_space<hbm>>) target(%arg12 : memref<112xi32, #tpu.memory_space<vmem>>) target_semaphore(%arg23 : memref<!tpu.dma_semaphore, #tpu.memory_space<semaphore_mem>>)
    %scan3A = arith.constant 0 : i32
    %scan3A_248 = arith.constant 29 : i32
    %scan3A_249 = arith.addi %scan3A, %scan3A_248 : i32
    %scan3A_250 = arith.constant 1 : i32
    scf.for %scan3A_677 = %scan3A to %scan3A_249 step %scan3A_250  : i32 {
      %mul3A_678 = arith.constant 1 : i32
      %mul3A_679 = arith.muli %scan3A_677, %mul3A_678 : i32
      %add3A_680 = arith.constant 0 : i32
      %add3A_681 = arith.addi %add3A_680, %mul3A_679 : i32
      %mul3A_682 = arith.constant 3 : i32
      %mul3A_683 = arith.muli %mul3A_682, %add3A_681 : i32
      %add3A_684 = arith.constant 1 : i32
      %add3A_685 = arith.addi %mul3A_683, %add3A_684 : i32
      %dma_wait3A_686 = arith.constant 0 : i32
      %dma_wait3A_687 = arith.constant 0 : i32
      %dma_wait3A_688 = tpu.memref_slice %arg2[%dma_wait3A_686, %dma_wait3A_687] : memref<320000x128xf32, #tpu.memory_space<hbm>> -> memref<112x128xf32, #tpu.memory_space<hbm>>
      %dma_wait3A_689 = arith.constant 0 : i32
      %dma_wait3A_690 = arith.constant 0 : i32
      %dma_wait3A_691 = tpu.memref_slice %arg2[%dma_wait3A_689, %dma_wait3A_690] : memref<320000x128xf32, #tpu.memory_space<hbm>> -> memref<112x128xf32, #tpu.memory_space<hbm>>
      tpu.wait_dma2 semaphore(%arg19 : memref<!tpu.dma_semaphore, #tpu.memory_space<semaphore_mem>>) src(%dma_wait3A_691 : memref<112x128xf32, #tpu.memory_space<hbm>>) dst(%arg8 : memref<112x128xf32, #tpu.memory_space<vmem>>)
      %dma_wait3A_692 = arith.constant 0 : i32
      %dma_wait3A_693 = tpu.memref_slice %arg3[%dma_wait3A_692] : memref<320000xi32, #tpu.memory_space<hbm>> -> memref<112xi32, #tpu.memory_space<hbm>>
      %dma_wait3A_694 = arith.constant 0 : i32
      %dma_wait3A_695 = tpu.memref_slice %arg3[%dma_wait3A_694] : memref<320000xi32, #tpu.memory_space<hbm>> -> memref<112xi32, #tpu.memory_space<hbm>>
      tpu.wait_dma2 semaphore(%arg22 : memref<!tpu.dma_semaphore, #tpu.memory_space<semaphore_mem>>) src(%dma_wait3A_695 : memref<112xi32, #tpu.memory_space<hbm>>) dst(%arg11 : memref<112xi32, #tpu.memory_space<vmem>>)
      %dma_start3A_696 = arith.constant 0 : i32
      %dma_start3A_697 = arith.constant 0 : i32
      %dma_start3A_698 = tpu.memref_slice %arg16[%dma_start3A_696, %dma_start3A_697] : memref<10240x128xf32, #tpu.memory_space<vmem_shared>> -> memref<10240x128xf32, #tpu.memory_space<vmem_shared>>
      tpu.enqueue_indirect_dma source(%arg8 : memref<112x128xf32, #tpu.memory_space<vmem>>) target(%dma_start3A_698 : memref<10240x128xf32, #tpu.memory_space<vmem_shared>>) offsets(%arg11 : memref<112xi32, #tpu.memory_space<vmem>>) semaphore(%arg25 : memref<!tpu.dma_semaphore, #tpu.memory_space<semaphore_mem>>) {add = true}
      %dma_start3A_699 = arith.constant 0 : i32
      %dma_start3A_700 = tpu.memref_slice %arg17[%dma_start3A_699] : memref<10240xf32, #tpu.memory_space<vmem_shared>> -> memref<10240xf32, #tpu.memory_space<vmem_shared>>
      tpu.enqueue_indirect_dma source(%arg14 : memref<112xf32, #tpu.memory_space<vmem>>) target(%dma_start3A_700 : memref<10240xf32, #tpu.memory_space<vmem_shared>>) offsets(%arg11 : memref<112xi32, #tpu.memory_space<vmem>>) semaphore(%arg28 : memref<!tpu.dma_semaphore, #tpu.memory_space<semaphore_mem>>) {add = true}
      %dma_wait3A_701 = arith.constant 0 : i32
      %dma_wait3A_702 = arith.constant 0 : i32
      %dma_wait3A_703 = tpu.memref_slice %arg16[%dma_wait3A_701, %dma_wait3A_702] : memref<10240x128xf32, #tpu.memory_space<vmem_shared>> -> memref<10240x128xf32, #tpu.memory_space<vmem_shared>>
      tpu.wait_indirect_dma semaphore(%arg24 : memref<!tpu.dma_semaphore, #tpu.memory_space<semaphore_mem>>) src(%arg7 : memref<112x128xf32, #tpu.memory_space<vmem>>) dst(%dma_wait3A_703 : memref<10240x128xf32, #tpu.memory_space<vmem_shared>>)
      %dma_wait3A_704 = arith.constant 0 : i32
      %dma_wait3A_705 = tpu.memref_slice %arg17[%dma_wait3A_704] : memref<10240xf32, #tpu.memory_space<vmem_shared>> -> memref<10240xf32, #tpu.memory_space<vmem_shared>>
      tpu.wait_indirect_dma semaphore(%arg27 : memref<!tpu.dma_semaphore, #tpu.memory_space<semaphore_mem>>) src(%arg14 : memref<112xf32, #tpu.memory_space<vmem>>) dst(%dma_wait3A_705 : memref<10240xf32, #tpu.memory_space<vmem_shared>>)
      %add3A_706 = arith.constant 2 : i32
      %add3A_707 = arith.addi %add3A_685, %add3A_706 : i32
      %lt3A = arith.constant 89 : i32
      %lt3A_708 = arith.cmpi slt, %add3A_707, %lt3A : i32
      %jit3A_709 = arith.constant 0 : i32
      %select_n3A_710 = arith.select %lt3A_708, %add3A_707, %jit3A_709 : i32
      %mul3A_711 = arith.constant 112 : i32
      %mul3A_712 = arith.muli %select_n3A_710, %mul3A_711 : i32
      %add3A_713 = arith.addi %add3A, %mul3A_712 : i32
      %multiple_of3A_714 = tpu.assume_multiple %add3A_713, 8 : i32
      %dma_start3A_715 = arith.constant 0 : i32
      %dma_start3A_716 = tpu.memref_slice %arg2[%multiple_of3A_714, %dma_start3A_715] : memref<320000x128xf32, #tpu.memory_space<hbm>> -> memref<112x128xf32, #tpu.memory_space<hbm>>
      %dma_start3A_717 = arith.constant 0 : i32
      %dma_start3A_718 = tpu.memref_slice %arg2[%multiple_of3A_714, %dma_start3A_717] : memref<320000x128xf32, #tpu.memory_space<hbm>> -> memref<112x128xf32, #tpu.memory_space<hbm>>
      tpu.enqueue_dma source(%dma_start3A_718 : memref<112x128xf32, #tpu.memory_space<hbm>>) target(%arg7 : memref<112x128xf32, #tpu.memory_space<vmem>>) target_semaphore(%arg18 : memref<!tpu.dma_semaphore, #tpu.memory_space<semaphore_mem>>)
      %dma_start3A_719 = tpu.memref_slice %arg3[%multiple_of3A_714] : memref<320000xi32, #tpu.memory_space<hbm>> -> memref<112xi32, #tpu.memory_space<hbm>>
      %dma_start3A_720 = tpu.memref_slice %arg3[%multiple_of3A_714] : memref<320000xi32, #tpu.memory_space<hbm>> -> memref<112xi32, #tpu.memory_space<hbm>>
      tpu.enqueue_dma source(%dma_start3A_720 : memref<112xi32, #tpu.memory_space<hbm>>) target(%arg10 : memref<112xi32, #tpu.memory_space<vmem>>) target_semaphore(%arg21 : memref<!tpu.dma_semaphore, #tpu.memory_space<semaphore_mem>>)
      %add3A_721 = arith.constant 1 : i32
      %add3A_722 = arith.addi %add3A_685, %add3A_721 : i32
      %dma_wait3A_723 = arith.constant 0 : i32
      %dma_wait3A_724 = arith.constant 0 : i32
      %dma_wait3A_725 = tpu.memref_slice %arg2[%dma_wait3A_723, %dma_wait3A_724] : memref<320000x128xf32, #tpu.memory_space<hbm>> -> memref<112x128xf32, #tpu.memory_space<hbm>>
      %dma_wait3A_726 = arith.constant 0 : i32
      %dma_wait3A_727 = arith.constant 0 : i32
      %dma_wait3A_728 = tpu.memref_slice %arg2[%dma_wait3A_726, %dma_wait3A_727] : memref<320000x128xf32, #tpu.memory_space<hbm>> -> memref<112x128xf32, #tpu.memory_space<hbm>>
      tpu.wait_dma2 semaphore(%arg20 : memref<!tpu.dma_semaphore, #tpu.memory_space<semaphore_mem>>) src(%dma_wait3A_728 : memref<112x128xf32, #tpu.memory_space<hbm>>) dst(%arg9 : memref<112x128xf32, #tpu.memory_space<vmem>>)
      %dma_wait3A_729 = arith.constant 0 : i32
      %dma_wait3A_730 = tpu.memref_slice %arg3[%dma_wait3A_729] : memref<320000xi32, #tpu.memory_space<hbm>> -> memref<112xi32, #tpu.memory_space<hbm>>
      %dma_wait3A_731 = arith.constant 0 : i32
      %dma_wait3A_732 = tpu.memref_slice %arg3[%dma_wait3A_731] : memref<320000xi32, #tpu.memory_space<hbm>> -> memref<112xi32, #tpu.memory_space<hbm>>
      tpu.wait_dma2 semaphore(%arg23 : memref<!tpu.dma_semaphore, #tpu.memory_space<semaphore_mem>>) src(%dma_wait3A_732 : memref<112xi32, #tpu.memory_space<hbm>>) dst(%arg12 : memref<112xi32, #tpu.memory_space<vmem>>)
      %dma_start3A_733 = arith.constant 0 : i32
      %dma_start3A_734 = arith.constant 0 : i32
      %dma_start3A_735 = tpu.memref_slice %arg16[%dma_start3A_733, %dma_start3A_734] : memref<10240x128xf32, #tpu.memory_space<vmem_shared>> -> memref<10240x128xf32, #tpu.memory_space<vmem_shared>>
      tpu.enqueue_indirect_dma source(%arg9 : memref<112x128xf32, #tpu.memory_space<vmem>>) target(%dma_start3A_735 : memref<10240x128xf32, #tpu.memory_space<vmem_shared>>) offsets(%arg12 : memref<112xi32, #tpu.memory_space<vmem>>) semaphore(%arg26 : memref<!tpu.dma_semaphore, #tpu.memory_space<semaphore_mem>>) {add = true}
      %dma_start3A_736 = arith.constant 0 : i32
      %dma_start3A_737 = tpu.memref_slice %arg17[%dma_start3A_736] : memref<10240xf32, #tpu.memory_space<vmem_shared>> -> memref<10240xf32, #tpu.memory_space<vmem_shared>>
      tpu.enqueue_indirect_dma source(%arg14 : memref<112xf32, #tpu.memory_space<vmem>>) target(%dma_start3A_737 : memref<10240xf32, #tpu.memory_space<vmem_shared>>) offsets(%arg12 : memref<112xi32, #tpu.memory_space<vmem>>) semaphore(%arg29 : memref<!tpu.dma_semaphore, #tpu.memory_space<semaphore_mem>>) {add = true}
      %dma_wait3A_738 = arith.constant 0 : i32
      %dma_wait3A_739 = arith.constant 0 : i32
      %dma_wait3A_740 = tpu.memref_slice %arg16[%dma_wait3A_738, %dma_wait3A_739] : memref<10240x128xf32, #tpu.memory_space<vmem_shared>> -> memref<10240x128xf32, #tpu.memory_space<vmem_shared>>
      tpu.wait_indirect_dma semaphore(%arg25 : memref<!tpu.dma_semaphore, #tpu.memory_space<semaphore_mem>>) src(%arg8 : memref<112x128xf32, #tpu.memory_space<vmem>>) dst(%dma_wait3A_740 : memref<10240x128xf32, #tpu.memory_space<vmem_shared>>)
      %dma_wait3A_741 = arith.constant 0 : i32
      %dma_wait3A_742 = tpu.memref_slice %arg17[%dma_wait3A_741] : memref<10240xf32, #tpu.memory_space<vmem_shared>> -> memref<10240xf32, #tpu.memory_space<vmem_shared>>
      tpu.wait_indirect_dma semaphore(%arg28 : memref<!tpu.dma_semaphore, #tpu.memory_space<semaphore_mem>>) src(%arg14 : memref<112xf32, #tpu.memory_space<vmem>>) dst(%dma_wait3A_742 : memref<10240xf32, #tpu.memory_space<vmem_shared>>)
      %add3A_743 = arith.constant 2 : i32
      %add3A_744 = arith.addi %add3A_722, %add3A_743 : i32
      %lt3A_745 = arith.constant 89 : i32
      %lt3A_746 = arith.cmpi slt, %add3A_744, %lt3A_745 : i32
      %jit3A_747 = arith.constant 0 : i32
      %select_n3A_748 = arith.select %lt3A_746, %add3A_744, %jit3A_747 : i32
      %mul3A_749 = arith.constant 112 : i32
      %mul3A_750 = arith.muli %select_n3A_748, %mul3A_749 : i32
      %add3A_751 = arith.addi %add3A, %mul3A_750 : i32
      %multiple_of3A_752 = tpu.assume_multiple %add3A_751, 8 : i32
      %dma_start3A_753 = arith.constant 0 : i32
      %dma_start3A_754 = tpu.memref_slice %arg2[%multiple_of3A_752, %dma_start3A_753] : memref<320000x128xf32, #tpu.memory_space<hbm>> -> memref<112x128xf32, #tpu.memory_space<hbm>>
      %dma_start3A_755 = arith.constant 0 : i32
      %dma_start3A_756 = tpu.memref_slice %arg2[%multiple_of3A_752, %dma_start3A_755] : memref<320000x128xf32, #tpu.memory_space<hbm>> -> memref<112x128xf32, #tpu.memory_space<hbm>>
      tpu.enqueue_dma source(%dma_start3A_756 : memref<112x128xf32, #tpu.memory_space<hbm>>) target(%arg8 : memref<112x128xf32, #tpu.memory_space<vmem>>) target_semaphore(%arg19 : memref<!tpu.dma_semaphore, #tpu.memory_space<semaphore_mem>>)
      %dma_start3A_757 = tpu.memref_slice %arg3[%multiple_of3A_752] : memref<320000xi32, #tpu.memory_space<hbm>> -> memref<112xi32, #tpu.memory_space<hbm>>
      %dma_start3A_758 = tpu.memref_slice %arg3[%multiple_of3A_752] : memref<320000xi32, #tpu.memory_space<hbm>> -> memref<112xi32, #tpu.memory_space<hbm>>
      tpu.enqueue_dma source(%dma_start3A_758 : memref<112xi32, #tpu.memory_space<hbm>>) target(%arg11 : memref<112xi32, #tpu.memory_space<vmem>>) target_semaphore(%arg22 : memref<!tpu.dma_semaphore, #tpu.memory_space<semaphore_mem>>)
      %add3A_759 = arith.constant 2 : i32
      %add3A_760 = arith.addi %add3A_685, %add3A_759 : i32
      %dma_wait3A_761 = arith.constant 0 : i32
      %dma_wait3A_762 = arith.constant 0 : i32
      %dma_wait3A_763 = tpu.memref_slice %arg2[%dma_wait3A_761, %dma_wait3A_762] : memref<320000x128xf32, #tpu.memory_space<hbm>> -> memref<112x128xf32, #tpu.memory_space<hbm>>
      %dma_wait3A_764 = arith.constant 0 : i32
      %dma_wait3A_765 = arith.constant 0 : i32
      %dma_wait3A_766 = tpu.memref_slice %arg2[%dma_wait3A_764, %dma_wait3A_765] : memref<320000x128xf32, #tpu.memory_space<hbm>> -> memref<112x128xf32, #tpu.memory_space<hbm>>
      tpu.wait_dma2 semaphore(%arg18 : memref<!tpu.dma_semaphore, #tpu.memory_space<semaphore_mem>>) src(%dma_wait3A_766 : memref<112x128xf32, #tpu.memory_space<hbm>>) dst(%arg7 : memref<112x128xf32, #tpu.memory_space<vmem>>)
      %dma_wait3A_767 = arith.constant 0 : i32
      %dma_wait3A_768 = tpu.memref_slice %arg3[%dma_wait3A_767] : memref<320000xi32, #tpu.memory_space<hbm>> -> memref<112xi32, #tpu.memory_space<hbm>>
      %dma_wait3A_769 = arith.constant 0 : i32
      %dma_wait3A_770 = tpu.memref_slice %arg3[%dma_wait3A_769] : memref<320000xi32, #tpu.memory_space<hbm>> -> memref<112xi32, #tpu.memory_space<hbm>>
      tpu.wait_dma2 semaphore(%arg21 : memref<!tpu.dma_semaphore, #tpu.memory_space<semaphore_mem>>) src(%dma_wait3A_770 : memref<112xi32, #tpu.memory_space<hbm>>) dst(%arg10 : memref<112xi32, #tpu.memory_space<vmem>>)
      %dma_start3A_771 = arith.constant 0 : i32
      %dma_start3A_772 = arith.constant 0 : i32
      %dma_start3A_773 = tpu.memref_slice %arg16[%dma_start3A_771, %dma_start3A_772] : memref<10240x128xf32, #tpu.memory_space<vmem_shared>> -> memref<10240x128xf32, #tpu.memory_space<vmem_shared>>
      tpu.enqueue_indirect_dma source(%arg7 : memref<112x128xf32, #tpu.memory_space<vmem>>) target(%dma_start3A_773 : memref<10240x128xf32, #tpu.memory_space<vmem_shared>>) offsets(%arg10 : memref<112xi32, #tpu.memory_space<vmem>>) semaphore(%arg24 : memref<!tpu.dma_semaphore, #tpu.memory_space<semaphore_mem>>) {add = true}
      %dma_start3A_774 = arith.constant 0 : i32
      %dma_start3A_775 = tpu.memref_slice %arg17[%dma_start3A_774] : memref<10240xf32, #tpu.memory_space<vmem_shared>> -> memref<10240xf32, #tpu.memory_space<vmem_shared>>
      tpu.enqueue_indirect_dma source(%arg14 : memref<112xf32, #tpu.memory_space<vmem>>) target(%dma_start3A_775 : memref<10240xf32, #tpu.memory_space<vmem_shared>>) offsets(%arg10 : memref<112xi32, #tpu.memory_space<vmem>>) semaphore(%arg27 : memref<!tpu.dma_semaphore, #tpu.memory_space<semaphore_mem>>) {add = true}
      %dma_wait3A_776 = arith.constant 0 : i32
      %dma_wait3A_777 = arith.constant 0 : i32
      %dma_wait3A_778 = tpu.memref_slice %arg16[%dma_wait3A_776, %dma_wait3A_777] : memref<10240x128xf32, #tpu.memory_space<vmem_shared>> -> memref<10240x128xf32, #tpu.memory_space<vmem_shared>>
      tpu.wait_indirect_dma semaphore(%arg26 : memref<!tpu.dma_semaphore, #tpu.memory_space<semaphore_mem>>) src(%arg9 : memref<112x128xf32, #tpu.memory_space<vmem>>) dst(%dma_wait3A_778 : memref<10240x128xf32, #tpu.memory_space<vmem_shared>>)
      %dma_wait3A_779 = arith.constant 0 : i32
      %dma_wait3A_780 = tpu.memref_slice %arg17[%dma_wait3A_779] : memref<10240xf32, #tpu.memory_space<vmem_shared>> -> memref<10240xf32, #tpu.memory_space<vmem_shared>>
      tpu.wait_indirect_dma semaphore(%arg29 : memref<!tpu.dma_semaphore, #tpu.memory_space<semaphore_mem>>) src(%arg14 : memref<112xf32, #tpu.memory_space<vmem>>) dst(%dma_wait3A_780 : memref<10240xf32, #tpu.memory_space<vmem_shared>>)
      %add3A_781 = arith.constant 2 : i32
      %add3A_782 = arith.addi %add3A_760, %add3A_781 : i32
      %lt3A_783 = arith.constant 89 : i32
      %lt3A_784 = arith.cmpi slt, %add3A_782, %lt3A_783 : i32
      %jit3A_785 = arith.constant 0 : i32
      %select_n3A_786 = arith.select %lt3A_784, %add3A_782, %jit3A_785 : i32
      %mul3A_787 = arith.constant 112 : i32
      %mul3A_788 = arith.muli %select_n3A_786, %mul3A_787 : i32
      %add3A_789 = arith.addi %add3A, %mul3A_788 : i32
      %multiple_of3A_790 = tpu.assume_multiple %add3A_789, 8 : i32
      %dma_start3A_791 = arith.constant 0 : i32
      %dma_start3A_792 = tpu.memref_slice %arg2[%multiple_of3A_790, %dma_start3A_791] : memref<320000x128xf32, #tpu.memory_space<hbm>> -> memref<112x128xf32, #tpu.memory_space<hbm>>
      %dma_start3A_793 = arith.constant 0 : i32
      %dma_start3A_794 = tpu.memref_slice %arg2[%multiple_of3A_790, %dma_start3A_793] : memref<320000x128xf32, #tpu.memory_space<hbm>> -> memref<112x128xf32, #tpu.memory_space<hbm>>
      tpu.enqueue_dma source(%dma_start3A_794 : memref<112x128xf32, #tpu.memory_space<hbm>>) target(%arg9 : memref<112x128xf32, #tpu.memory_space<vmem>>) target_semaphore(%arg20 : memref<!tpu.dma_semaphore, #tpu.memory_space<semaphore_mem>>)
      %dma_start3A_795 = tpu.memref_slice %arg3[%multiple_of3A_790] : memref<320000xi32, #tpu.memory_space<hbm>> -> memref<112xi32, #tpu.memory_space<hbm>>
      %dma_start3A_796 = tpu.memref_slice %arg3[%multiple_of3A_790] : memref<320000xi32, #tpu.memory_space<hbm>> -> memref<112xi32, #tpu.memory_space<hbm>>
      tpu.enqueue_dma source(%dma_start3A_796 : memref<112xi32, #tpu.memory_space<hbm>>) target(%arg12 : memref<112xi32, #tpu.memory_space<vmem>>) target_semaphore(%arg23 : memref<!tpu.dma_semaphore, #tpu.memory_space<semaphore_mem>>)
    }
    %scan3A_251 = arith.constant 29 : i32
    %dma_wait3A_252 = arith.constant 0 : i32
    %dma_wait3A_253 = arith.constant 0 : i32
    %dma_wait3A_254 = tpu.memref_slice %arg2[%dma_wait3A_252, %dma_wait3A_253] : memref<320000x128xf32, #tpu.memory_space<hbm>> -> memref<112x128xf32, #tpu.memory_space<hbm>>
    %dma_wait3A_255 = arith.constant 0 : i32
    %dma_wait3A_256 = arith.constant 0 : i32
    %dma_wait3A_257 = tpu.memref_slice %arg2[%dma_wait3A_255, %dma_wait3A_256] : memref<320000x128xf32, #tpu.memory_space<hbm>> -> memref<112x128xf32, #tpu.memory_space<hbm>>
    tpu.wait_dma2 semaphore(%arg19 : memref<!tpu.dma_semaphore, #tpu.memory_space<semaphore_mem>>) src(%dma_wait3A_257 : memref<112x128xf32, #tpu.memory_space<hbm>>) dst(%arg8 : memref<112x128xf32, #tpu.memory_space<vmem>>)
    %dma_wait3A_258 = arith.constant 0 : i32
    %dma_wait3A_259 = tpu.memref_slice %arg3[%dma_wait3A_258] : memref<320000xi32, #tpu.memory_space<hbm>> -> memref<112xi32, #tpu.memory_space<hbm>>
    %dma_wait3A_260 = arith.constant 0 : i32
    %dma_wait3A_261 = tpu.memref_slice %arg3[%dma_wait3A_260] : memref<320000xi32, #tpu.memory_space<hbm>> -> memref<112xi32, #tpu.memory_space<hbm>>
    tpu.wait_dma2 semaphore(%arg22 : memref<!tpu.dma_semaphore, #tpu.memory_space<semaphore_mem>>) src(%dma_wait3A_261 : memref<112xi32, #tpu.memory_space<hbm>>) dst(%arg11 : memref<112xi32, #tpu.memory_space<vmem>>)
    %dma_start3A_262 = arith.constant 0 : i32
    %dma_start3A_263 = arith.constant 0 : i32
    %dma_start3A_264 = tpu.memref_slice %arg16[%dma_start3A_262, %dma_start3A_263] : memref<10240x128xf32, #tpu.memory_space<vmem_shared>> -> memref<10240x128xf32, #tpu.memory_space<vmem_shared>>
    tpu.enqueue_indirect_dma source(%arg8 : memref<112x128xf32, #tpu.memory_space<vmem>>) target(%dma_start3A_264 : memref<10240x128xf32, #tpu.memory_space<vmem_shared>>) offsets(%arg11 : memref<112xi32, #tpu.memory_space<vmem>>) semaphore(%arg25 : memref<!tpu.dma_semaphore, #tpu.memory_space<semaphore_mem>>) {add = true}
    %dma_start3A_265 = arith.constant 0 : i32
    %dma_start3A_266 = tpu.memref_slice %arg17[%dma_start3A_265] : memref<10240xf32, #tpu.memory_space<vmem_shared>> -> memref<10240xf32, #tpu.memory_space<vmem_shared>>
    tpu.enqueue_indirect_dma source(%arg14 : memref<112xf32, #tpu.memory_space<vmem>>) target(%dma_start3A_266 : memref<10240xf32, #tpu.memory_space<vmem_shared>>) offsets(%arg11 : memref<112xi32, #tpu.memory_space<vmem>>) semaphore(%arg28 : memref<!tpu.dma_semaphore, #tpu.memory_space<semaphore_mem>>) {add = true}
    %dma_wait3A_267 = arith.constant 0 : i32
    %dma_wait3A_268 = arith.constant 0 : i32
    %dma_wait3A_269 = tpu.memref_slice %arg16[%dma_wait3A_267, %dma_wait3A_268] : memref<10240x128xf32, #tpu.memory_space<vmem_shared>> -> memref<10240x128xf32, #tpu.memory_space<vmem_shared>>
    tpu.wait_indirect_dma semaphore(%arg24 : memref<!tpu.dma_semaphore, #tpu.memory_space<semaphore_mem>>) src(%arg7 : memref<112x128xf32, #tpu.memory_space<vmem>>) dst(%dma_wait3A_269 : memref<10240x128xf32, #tpu.memory_space<vmem_shared>>)
    %dma_wait3A_270 = arith.constant 0 : i32
    %dma_wait3A_271 = tpu.memref_slice %arg17[%dma_wait3A_270] : memref<10240xf32, #tpu.memory_space<vmem_shared>> -> memref<10240xf32, #tpu.memory_space<vmem_shared>>
    tpu.wait_indirect_dma semaphore(%arg27 : memref<!tpu.dma_semaphore, #tpu.memory_space<semaphore_mem>>) src(%arg14 : memref<112xf32, #tpu.memory_space<vmem>>) dst(%dma_wait3A_271 : memref<10240xf32, #tpu.memory_space<vmem_shared>>)
    %jit3A_272 = arith.constant false
    %jit3A_273 = arith.constant 90 : i32
    %jit3A_274 = arith.constant 0 : i32
    %select_n3A_275 = arith.select %jit3A_272, %jit3A_273, %jit3A_274 : i32
    %mul3A_276 = arith.constant 112 : i32
    %mul3A_277 = arith.muli %select_n3A_275, %mul3A_276 : i32
    %add3A_278 = arith.addi %add3A, %mul3A_277 : i32
    %multiple_of3A_279 = tpu.assume_multiple %add3A_278, 8 : i32
    %dma_start3A_280 = arith.constant 0 : i32
    %dma_start3A_281 = tpu.memref_slice %arg2[%multiple_of3A_279, %dma_start3A_280] : memref<320000x128xf32, #tpu.memory_space<hbm>> -> memref<112x128xf32, #tpu.memory_space<hbm>>
    %dma_start3A_282 = arith.constant 0 : i32
    %dma_start3A_283 = tpu.memref_slice %arg2[%multiple_of3A_279, %dma_start3A_282] : memref<320000x128xf32, #tpu.memory_space<hbm>> -> memref<112x128xf32, #tpu.memory_space<hbm>>
    tpu.enqueue_dma source(%dma_start3A_283 : memref<112x128xf32, #tpu.memory_space<hbm>>) target(%arg7 : memref<112x128xf32, #tpu.memory_space<vmem>>) target_semaphore(%arg18 : memref<!tpu.dma_semaphore, #tpu.memory_space<semaphore_mem>>)
    %dma_start3A_284 = tpu.memref_slice %arg3[%multiple_of3A_279] : memref<320000xi32, #tpu.memory_space<hbm>> -> memref<112xi32, #tpu.memory_space<hbm>>
    %dma_start3A_285 = tpu.memref_slice %arg3[%multiple_of3A_279] : memref<320000xi32, #tpu.memory_space<hbm>> -> memref<112xi32, #tpu.memory_space<hbm>>
    tpu.enqueue_dma source(%dma_start3A_285 : memref<112xi32, #tpu.memory_space<hbm>>) target(%arg10 : memref<112xi32, #tpu.memory_space<vmem>>) target_semaphore(%arg21 : memref<!tpu.dma_semaphore, #tpu.memory_space<semaphore_mem>>)
    %dma_wait3A_286 = arith.constant 0 : i32
    %dma_wait3A_287 = arith.constant 0 : i32
    %dma_wait3A_288 = tpu.memref_slice %arg16[%dma_wait3A_286, %dma_wait3A_287] : memref<10240x128xf32, #tpu.memory_space<vmem_shared>> -> memref<10240x128xf32, #tpu.memory_space<vmem_shared>>
    tpu.wait_indirect_dma semaphore(%arg25 : memref<!tpu.dma_semaphore, #tpu.memory_space<semaphore_mem>>) src(%arg8 : memref<112x128xf32, #tpu.memory_space<vmem>>) dst(%dma_wait3A_288 : memref<10240x128xf32, #tpu.memory_space<vmem_shared>>)
    %dma_wait3A_289 = arith.constant 0 : i32
    %dma_wait3A_290 = tpu.memref_slice %arg17[%dma_wait3A_289] : memref<10240xf32, #tpu.memory_space<vmem_shared>> -> memref<10240xf32, #tpu.memory_space<vmem_shared>>
    tpu.wait_indirect_dma semaphore(%arg28 : memref<!tpu.dma_semaphore, #tpu.memory_space<semaphore_mem>>) src(%arg14 : memref<112xf32, #tpu.memory_space<vmem>>) dst(%dma_wait3A_290 : memref<10240xf32, #tpu.memory_space<vmem_shared>>)
    %dma_wait3A_291 = arith.constant 0 : i32
    %dma_wait3A_292 = arith.constant 0 : i32
    %dma_wait3A_293 = tpu.memref_slice %arg2[%dma_wait3A_291, %dma_wait3A_292] : memref<320000x128xf32, #tpu.memory_space<hbm>> -> memref<112x128xf32, #tpu.memory_space<hbm>>
    %dma_wait3A_294 = arith.constant 0 : i32
    %dma_wait3A_295 = arith.constant 0 : i32
    %dma_wait3A_296 = tpu.memref_slice %arg2[%dma_wait3A_294, %dma_wait3A_295] : memref<320000x128xf32, #tpu.memory_space<hbm>> -> memref<112x128xf32, #tpu.memory_space<hbm>>
    tpu.wait_dma2 semaphore(%arg20 : memref<!tpu.dma_semaphore, #tpu.memory_space<semaphore_mem>>) src(%dma_wait3A_296 : memref<112x128xf32, #tpu.memory_space<hbm>>) dst(%arg9 : memref<112x128xf32, #tpu.memory_space<vmem>>)
    %dma_wait3A_297 = arith.constant 0 : i32
    %dma_wait3A_298 = tpu.memref_slice %arg3[%dma_wait3A_297] : memref<320000xi32, #tpu.memory_space<hbm>> -> memref<112xi32, #tpu.memory_space<hbm>>
    %dma_wait3A_299 = arith.constant 0 : i32
    %dma_wait3A_300 = tpu.memref_slice %arg3[%dma_wait3A_299] : memref<320000xi32, #tpu.memory_space<hbm>> -> memref<112xi32, #tpu.memory_space<hbm>>
    tpu.wait_dma2 semaphore(%arg23 : memref<!tpu.dma_semaphore, #tpu.memory_space<semaphore_mem>>) src(%dma_wait3A_300 : memref<112xi32, #tpu.memory_space<hbm>>) dst(%arg12 : memref<112xi32, #tpu.memory_space<vmem>>)
    %dma_wait3A_301 = arith.constant 0 : i32
    %dma_wait3A_302 = arith.constant 0 : i32
    %dma_wait3A_303 = tpu.memref_slice %arg2[%dma_wait3A_301, %dma_wait3A_302] : memref<320000x128xf32, #tpu.memory_space<hbm>> -> memref<112x128xf32, #tpu.memory_space<hbm>>
    %dma_wait3A_304 = arith.constant 0 : i32
    %dma_wait3A_305 = arith.constant 0 : i32
    %dma_wait3A_306 = tpu.memref_slice %arg2[%dma_wait3A_304, %dma_wait3A_305] : memref<320000x128xf32, #tpu.memory_space<hbm>> -> memref<112x128xf32, #tpu.memory_space<hbm>>
    tpu.wait_dma2 semaphore(%arg18 : memref<!tpu.dma_semaphore, #tpu.memory_space<semaphore_mem>>) src(%dma_wait3A_306 : memref<112x128xf32, #tpu.memory_space<hbm>>) dst(%arg7 : memref<112x128xf32, #tpu.memory_space<vmem>>)
    %dma_wait3A_307 = arith.constant 0 : i32
    %dma_wait3A_308 = tpu.memref_slice %arg3[%dma_wait3A_307] : memref<320000xi32, #tpu.memory_space<hbm>> -> memref<112xi32, #tpu.memory_space<hbm>>
    %dma_wait3A_309 = arith.constant 0 : i32
    %dma_wait3A_310 = tpu.memref_slice %arg3[%dma_wait3A_309] : memref<320000xi32, #tpu.memory_space<hbm>> -> memref<112xi32, #tpu.memory_space<hbm>>
    tpu.wait_dma2 semaphore(%arg21 : memref<!tpu.dma_semaphore, #tpu.memory_space<semaphore_mem>>) src(%dma_wait3A_310 : memref<112xi32, #tpu.memory_space<hbm>>) dst(%arg10 : memref<112xi32, #tpu.memory_space<vmem>>)
    %add3A_311 = arith.constant 9968 : i32
    %add3A_312 = arith.addi %add3A, %add3A_311 : i32
    %multiple_of3A_313 = tpu.assume_multiple %add3A_312, 8 : i32
    "tpu.region"() ({
      %run_scoped3A = tpu.sem_alloc : memref<!tpu.dma_semaphore, #tpu.memory_space<semaphore_mem>>
      %dma_start3A_677 = arith.constant 0 : i32
      %dma_start3A_678 = arith.constant 0 : i32
      %dma_start3A_679 = tpu.memref_slice %arg7[%dma_start3A_677, %dma_start3A_678] : memref<112x128xf32, #tpu.memory_space<vmem>> -> memref<32x128xf32, #tpu.memory_space<vmem>>
      %dma_start3A_680 = arith.constant 0 : i32
      %dma_start3A_681 = tpu.memref_slice %arg2[%multiple_of3A_313, %dma_start3A_680] : memref<320000x128xf32, #tpu.memory_space<hbm>> -> memref<32x128xf32, #tpu.memory_space<hbm>>
      %dma_start3A_682 = arith.constant 0 : i32
      %dma_start3A_683 = arith.constant 0 : i32
      %dma_start3A_684 = tpu.memref_slice %arg7[%dma_start3A_682, %dma_start3A_683] : memref<112x128xf32, #tpu.memory_space<vmem>> -> memref<32x128xf32, #tpu.memory_space<vmem>>
      %dma_start3A_685 = arith.constant 0 : i32
      %dma_start3A_686 = tpu.memref_slice %arg2[%multiple_of3A_313, %dma_start3A_685] : memref<320000x128xf32, #tpu.memory_space<hbm>> -> memref<32x128xf32, #tpu.memory_space<hbm>>
      tpu.enqueue_dma source(%dma_start3A_686 : memref<32x128xf32, #tpu.memory_space<hbm>>) target(%dma_start3A_684 : memref<32x128xf32, #tpu.memory_space<vmem>>) target_semaphore(%run_scoped3A : memref<!tpu.dma_semaphore, #tpu.memory_space<semaphore_mem>>)
      %dma_wait3A_687 = arith.constant 0 : i32
      %dma_wait3A_688 = arith.constant 0 : i32
      %dma_wait3A_689 = tpu.memref_slice %arg7[%dma_wait3A_687, %dma_wait3A_688] : memref<112x128xf32, #tpu.memory_space<vmem>> -> memref<32x128xf32, #tpu.memory_space<vmem>>
      %dma_wait3A_690 = arith.constant 0 : i32
      %dma_wait3A_691 = tpu.memref_slice %arg2[%multiple_of3A_313, %dma_wait3A_690] : memref<320000x128xf32, #tpu.memory_space<hbm>> -> memref<32x128xf32, #tpu.memory_space<hbm>>
      %dma_wait3A_692 = arith.constant 0 : i32
      %dma_wait3A_693 = arith.constant 0 : i32
      %dma_wait3A_694 = tpu.memref_slice %arg7[%dma_wait3A_692, %dma_wait3A_693] : memref<112x128xf32, #tpu.memory_space<vmem>> -> memref<32x128xf32, #tpu.memory_space<vmem>>
      %dma_wait3A_695 = arith.constant 0 : i32
      %dma_wait3A_696 = tpu.memref_slice %arg2[%multiple_of3A_313, %dma_wait3A_695] : memref<320000x128xf32, #tpu.memory_space<hbm>> -> memref<32x128xf32, #tpu.memory_space<hbm>>
      tpu.wait_dma2 semaphore(%run_scoped3A : memref<!tpu.dma_semaphore, #tpu.memory_space<semaphore_mem>>) src(%dma_wait3A_696 : memref<32x128xf32, #tpu.memory_space<hbm>>) dst(%dma_wait3A_694 : memref<32x128xf32, #tpu.memory_space<vmem>>)
      tpu.yield
    }) : () -> ()
    "tpu.region"() ({
      %run_scoped3A = tpu.sem_alloc : memref<!tpu.dma_semaphore, #tpu.memory_space<semaphore_mem>>
      %dma_start3A_677 = tpu.memref_slice %arg3[%multiple_of3A_313] : memref<320000xi32, #tpu.memory_space<hbm>> -> memref<32xi32, #tpu.memory_space<hbm>>
      %dma_start3A_678 = tpu.memref_slice %arg3[%multiple_of3A_313] : memref<320000xi32, #tpu.memory_space<hbm>> -> memref<32xi32, #tpu.memory_space<hbm>>
      tpu.enqueue_dma source(%dma_start3A_678 : memref<32xi32, #tpu.memory_space<hbm>>) target(%arg13 : memref<32xi32, #tpu.memory_space<vmem>>) target_semaphore(%run_scoped3A : memref<!tpu.dma_semaphore, #tpu.memory_space<semaphore_mem>>)
      %dma_wait3A_679 = tpu.memref_slice %arg3[%multiple_of3A_313] : memref<320000xi32, #tpu.memory_space<hbm>> -> memref<32xi32, #tpu.memory_space<hbm>>
      %dma_wait3A_680 = tpu.memref_slice %arg3[%multiple_of3A_313] : memref<320000xi32, #tpu.memory_space<hbm>> -> memref<32xi32, #tpu.memory_space<hbm>>
      tpu.wait_dma2 semaphore(%run_scoped3A : memref<!tpu.dma_semaphore, #tpu.memory_space<semaphore_mem>>) src(%dma_wait3A_680 : memref<32xi32, #tpu.memory_space<hbm>>) dst(%arg13 : memref<32xi32, #tpu.memory_space<vmem>>)
      tpu.yield
    }) : () -> ()
    "tpu.region"() ({
      %run_scoped3A = tpu.sem_alloc : memref<!tpu.dma_semaphore, #tpu.memory_space<semaphore_mem>>
      %dma_start3A_677 = arith.constant 0 : i32
      %dma_start3A_678 = arith.constant 0 : i32
      %dma_start3A_679 = tpu.memref_slice %arg7[%dma_start3A_677, %dma_start3A_678] : memref<112x128xf32, #tpu.memory_space<vmem>> -> memref<32x128xf32, #tpu.memory_space<vmem>>
      %dma_start3A_680 = arith.constant 0 : i32
      %dma_start3A_681 = arith.constant 0 : i32
      %dma_start3A_682 = tpu.memref_slice %arg16[%dma_start3A_680, %dma_start3A_681] : memref<10240x128xf32, #tpu.memory_space<vmem_shared>> -> memref<10240x128xf32, #tpu.memory_space<vmem_shared>>
      tpu.enqueue_indirect_dma source(%dma_start3A_679 : memref<32x128xf32, #tpu.memory_space<vmem>>) target(%dma_start3A_682 : memref<10240x128xf32, #tpu.memory_space<vmem_shared>>) offsets(%arg13 : memref<32xi32, #tpu.memory_space<vmem>>) semaphore(%run_scoped3A : memref<!tpu.dma_semaphore, #tpu.memory_space<semaphore_mem>>) {add = true}
      %dma_wait3A_683 = arith.constant 0 : i32
      %dma_wait3A_684 = arith.constant 0 : i32
      %dma_wait3A_685 = tpu.memref_slice %arg7[%dma_wait3A_683, %dma_wait3A_684] : memref<112x128xf32, #tpu.memory_space<vmem>> -> memref<32x128xf32, #tpu.memory_space<vmem>>
      %dma_wait3A_686 = arith.constant 0 : i32
      %dma_wait3A_687 = arith.constant 0 : i32
      %dma_wait3A_688 = tpu.memref_slice %arg16[%dma_wait3A_686, %dma_wait3A_687] : memref<10240x128xf32, #tpu.memory_space<vmem_shared>> -> memref<10240x128xf32, #tpu.memory_space<vmem_shared>>
      tpu.wait_indirect_dma semaphore(%run_scoped3A : memref<!tpu.dma_semaphore, #tpu.memory_space<semaphore_mem>>) src(%dma_wait3A_685 : memref<32x128xf32, #tpu.memory_space<vmem>>) dst(%dma_wait3A_688 : memref<10240x128xf32, #tpu.memory_space<vmem_shared>>)
      tpu.yield
    }) : () -> ()
    "tpu.region"() ({
      %run_scoped3A = tpu.sem_alloc : memref<!tpu.dma_semaphore, #tpu.memory_space<semaphore_mem>>
      %dma_start3A_677 = arith.constant 0 : i32
      %dma_start3A_678 = tpu.memref_slice %arg14[%dma_start3A_677] : memref<112xf32, #tpu.memory_space<vmem>> -> memref<32xf32, #tpu.memory_space<vmem>>
      %dma_start3A_679 = arith.constant 0 : i32
      %dma_start3A_680 = tpu.memref_slice %arg17[%dma_start3A_679] : memref<10240xf32, #tpu.memory_space<vmem_shared>> -> memref<10240xf32, #tpu.memory_space<vmem_shared>>
      tpu.enqueue_indirect_dma source(%dma_start3A_678 : memref<32xf32, #tpu.memory_space<vmem>>) target(%dma_start3A_680 : memref<10240xf32, #tpu.memory_space<vmem_shared>>) offsets(%arg13 : memref<32xi32, #tpu.memory_space<vmem>>) semaphore(%run_scoped3A : memref<!tpu.dma_semaphore, #tpu.memory_space<semaphore_mem>>) {add = true}
      %dma_wait3A_681 = arith.constant 0 : i32
      %dma_wait3A_682 = tpu.memref_slice %arg14[%dma_wait3A_681] : memref<112xf32, #tpu.memory_space<vmem>> -> memref<32xf32, #tpu.memory_space<vmem>>
      %dma_wait3A_683 = arith.constant 0 : i32
      %dma_wait3A_684 = tpu.memref_slice %arg17[%dma_wait3A_683] : memref<10240xf32, #tpu.memory_space<vmem_shared>> -> memref<10240xf32, #tpu.memory_space<vmem_shared>>
      tpu.wait_indirect_dma semaphore(%run_scoped3A : memref<!tpu.dma_semaphore, #tpu.memory_space<semaphore_mem>>) src(%dma_wait3A_682 : memref<32xf32, #tpu.memory_space<vmem>>) dst(%dma_wait3A_684 : memref<10240xf32, #tpu.memory_space<vmem_shared>>)
      tpu.yield
    }) : () -> ()
    %barrier3A_314 = arith.constant 0 : index
    tpu.barrier barrier_id(%barrier3A_314)
    "tpu.region"() ({
      %run_scoped3A = tpu.sem_alloc : memref<!tpu.dma_semaphore, #tpu.memory_space<semaphore_mem>>
      %dma_start3A_677 = arith.constant 0 : i32
      %dma_start3A_678 = tpu.memref_slice %arg5[%arg0, %multiple_of3A, %dma_start3A_677] : memref<2x10240x128xf32, #tpu.memory_space<hbm>> -> memref<1x640x128xf32, #tpu.memory_space<hbm>>
      %dma_start3A_679 = tpu.memref_squeeze %dma_start3A_678 : memref<1x640x128xf32, #tpu.memory_space<hbm>> -> memref<640x128xf32, #tpu.memory_space<hbm>>
      %dma_start3A_680 = arith.constant 0 : i32
      %dma_start3A_681 = tpu.memref_slice %arg16[%multiple_of3A, %dma_start3A_680] : memref<10240x128xf32, #tpu.memory_space<vmem_shared>> -> memref<640x128xf32, #tpu.memory_space<vmem_shared>>
      tpu.enqueue_dma source(%dma_start3A_681 : memref<640x128xf32, #tpu.memory_space<vmem_shared>>) target(%dma_start3A_679 : memref<640x128xf32, #tpu.memory_space<hbm>>) target_semaphore(%run_scoped3A : memref<!tpu.dma_semaphore, #tpu.memory_space<semaphore_mem>>)
      %dma_wait3A_682 = arith.constant 0 : i32
      %dma_wait3A_683 = tpu.memref_slice %arg5[%arg0, %multiple_of3A, %dma_wait3A_682] : memref<2x10240x128xf32, #tpu.memory_space<hbm>> -> memref<1x640x128xf32, #tpu.memory_space<hbm>>
      %dma_wait3A_684 = tpu.memref_squeeze %dma_wait3A_683 : memref<1x640x128xf32, #tpu.memory_space<hbm>> -> memref<640x128xf32, #tpu.memory_space<hbm>>
      %dma_wait3A_685 = arith.constant 0 : i32
      %dma_wait3A_686 = tpu.memref_slice %arg16[%multiple_of3A, %dma_wait3A_685] : memref<10240x128xf32, #tpu.memory_space<vmem_shared>> -> memref<640x128xf32, #tpu.memory_space<vmem_shared>>
      tpu.wait_dma2 semaphore(%run_scoped3A : memref<!tpu.dma_semaphore, #tpu.memory_space<semaphore_mem>>) src(%dma_wait3A_686 : memref<640x128xf32, #tpu.memory_space<vmem_shared>>) dst(%dma_wait3A_684 : memref<640x128xf32, #tpu.memory_space<hbm>>)
      tpu.yield
    }) : () -> ()
    "tpu.region"() ({
      %run_scoped3A = tpu.sem_alloc : memref<!tpu.dma_semaphore, #tpu.memory_space<semaphore_mem>>
      %dma_start3A_677 = tpu.memref_slice %arg17[%multiple_of3A] : memref<10240xf32, #tpu.memory_space<vmem_shared>> -> memref<640xf32, #tpu.memory_space<vmem_shared>>
      %dma_start3A_678 = tpu.memref_slice %arg17[%multiple_of3A] : memref<10240xf32, #tpu.memory_space<vmem_shared>> -> memref<640xf32, #tpu.memory_space<vmem_shared>>
      tpu.enqueue_dma source(%dma_start3A_678 : memref<640xf32, #tpu.memory_space<vmem_shared>>) target(%arg15 : memref<640xf32, #tpu.memory_space<vmem>>) target_semaphore(%run_scoped3A : memref<!tpu.dma_semaphore, #tpu.memory_space<semaphore_mem>>)
      %dma_wait3A_679 = tpu.memref_slice %arg17[%multiple_of3A] : memref<10240xf32, #tpu.memory_space<vmem_shared>> -> memref<640xf32, #tpu.memory_space<vmem_shared>>
      %dma_wait3A_680 = tpu.memref_slice %arg17[%multiple_of3A] : memref<10240xf32, #tpu.memory_space<vmem_shared>> -> memref<640xf32, #tpu.memory_space<vmem_shared>>
      tpu.wait_dma2 semaphore(%run_scoped3A : memref<!tpu.dma_semaphore, #tpu.memory_space<semaphore_mem>>) src(%dma_wait3A_680 : memref<640xf32, #tpu.memory_space<vmem_shared>>) dst(%arg15 : memref<640xf32, #tpu.memory_space<vmem>>)
      tpu.yield
    }) : () -> ()
    %get3A = arith.constant 0 : index
    %get3A_315 = tpu.vector_load %arg15[%get3A] {strides = array<i32>} : memref<640xf32, #tpu.memory_space<vmem>>, vector<16xf32>,
    %get3A_316 = vector.shape_cast %get3A_315 : vector<16xf32> to vector<16xf32>
    %swap3A_317 = arith.constant 0 : i32
    %swap3A_318 = arith.index_cast %swap3A_317 : i32 to index
    %swap3A_319 = arith.constant 0 : index
    %swap3A_320 = tpu.vector_load %arg7[%swap3A_318, %swap3A_319] {strides = array<i32>} : memref<112x128xf32, #tpu.memory_space<vmem>>, vector<1x16xf32>,
    %swap3A_321 = vector.shape_cast %swap3A_320 : vector<1x16xf32> to vector<16xf32>
    %swap3A_322 = vector.shape_cast %get3A_316 : vector<16xf32> to vector<1x16xf32>
    tpu.vector_store %arg7[%swap3A_318, %swap3A_319], %swap3A_322 {strides = array<i32>} : memref<112x128xf32, #tpu.memory_space<vmem>>, vector<1x16xf32>,
    %get3A_323 = arith.constant 16 : index
    %get3A_324 = tpu.vector_load %arg15[%get3A_323] {strides = array<i32>} : memref<640xf32, #tpu.memory_space<vmem>>, vector<16xf32>,
    %get3A_325 = vector.shape_cast %get3A_324 : vector<16xf32> to vector<16xf32>
    %swap3A_326 = arith.constant 0 : i32
    %swap3A_327 = arith.index_cast %swap3A_326 : i32 to index
    %swap3A_328 = arith.constant 16 : index
    %swap3A_329 = tpu.vector_load %arg7[%swap3A_327, %swap3A_328] {strides = array<i32>} : memref<112x128xf32, #tpu.memory_space<vmem>>, vector<1x16xf32>,
    %swap3A_330 = vector.shape_cast %swap3A_329 : vector<1x16xf32> to vector<16xf32>
    %swap3A_331 = vector.shape_cast %get3A_325 : vector<16xf32> to vector<1x16xf32>
    tpu.vector_store %arg7[%swap3A_327, %swap3A_328], %swap3A_331 {strides = array<i32>} : memref<112x128xf32, #tpu.memory_space<vmem>>, vector<1x16xf32>,
    %get3A_332 = arith.constant 32 : index
    %get3A_333 = tpu.vector_load %arg15[%get3A_332] {strides = array<i32>} : memref<640xf32, #tpu.memory_space<vmem>>, vector<16xf32>,
    %get3A_334 = vector.shape_cast %get3A_333 : vector<16xf32> to vector<16xf32>
    %swap3A_335 = arith.constant 0 : i32
    %swap3A_336 = arith.index_cast %swap3A_335 : i32 to index
    %swap3A_337 = arith.constant 32 : index
    %swap3A_338 = tpu.vector_load %arg7[%swap3A_336, %swap3A_337] {strides = array<i32>} : memref<112x128xf32, #tpu.memory_space<vmem>>, vector<1x16xf32>,
    %swap3A_339 = vector.shape_cast %swap3A_338 : vector<1x16xf32> to vector<16xf32>
    %swap3A_340 = vector.shape_cast %get3A_334 : vector<16xf32> to vector<1x16xf32>
    tpu.vector_store %arg7[%swap3A_336, %swap3A_337], %swap3A_340 {strides = array<i32>} : memref<112x128xf32, #tpu.memory_space<vmem>>, vector<1x16xf32>,
    %get3A_341 = arith.constant 48 : index
    %get3A_342 = tpu.vector_load %arg15[%get3A_341] {strides = array<i32>} : memref<640xf32, #tpu.memory_space<vmem>>, vector<16xf32>,
    %get3A_343 = vector.shape_cast %get3A_342 : vector<16xf32> to vector<16xf32>
    %swap3A_344 = arith.constant 0 : i32
    %swap3A_345 = arith.index_cast %swap3A_344 : i32 to index
    %swap3A_346 = arith.constant 48 : index
    %swap3A_347 = tpu.vector_load %arg7[%swap3A_345, %swap3A_346] {strides = array<i32>} : memref<112x128xf32, #tpu.memory_space<vmem>>, vector<1x16xf32>,
    %swap3A_348 = vector.shape_cast %swap3A_347 : vector<1x16xf32> to vector<16xf32>
    %swap3A_349 = vector.shape_cast %get3A_343 : vector<16xf32> to vector<1x16xf32>
    tpu.vector_store %arg7[%swap3A_345, %swap3A_346], %swap3A_349 {strides = array<i32>} : memref<112x128xf32, #tpu.memory_space<vmem>>, vector<1x16xf32>,
    %get3A_350 = arith.constant 64 : index
    %get3A_351 = tpu.vector_load %arg15[%get3A_350] {strides = array<i32>} : memref<640xf32, #tpu.memory_space<vmem>>, vector<16xf32>,
    %get3A_352 = vector.shape_cast %get3A_351 : vector<16xf32> to vector<16xf32>
    %swap3A_353 = arith.constant 0 : i32
    %swap3A_354 = arith.index_cast %swap3A_353 : i32 to index
    %swap3A_355 = arith.constant 64 : index
    %swap3A_356 = tpu.vector_load %arg7[%swap3A_354, %swap3A_355] {strides = array<i32>} : memref<112x128xf32, #tpu.memory_space<vmem>>, vector<1x16xf32>,
    %swap3A_357 = vector.shape_cast %swap3A_356 : vector<1x16xf32> to vector<16xf32>
    %swap3A_358 = vector.shape_cast %get3A_352 : vector<16xf32> to vector<1x16xf32>
    tpu.vector_store %arg7[%swap3A_354, %swap3A_355], %swap3A_358 {strides = array<i32>} : memref<112x128xf32, #tpu.memory_space<vmem>>, vector<1x16xf32>,
    %get3A_359 = arith.constant 80 : index
    %get3A_360 = tpu.vector_load %arg15[%get3A_359] {strides = array<i32>} : memref<640xf32, #tpu.memory_space<vmem>>, vector<16xf32>,
    %get3A_361 = vector.shape_cast %get3A_360 : vector<16xf32> to vector<16xf32>
    %swap3A_362 = arith.constant 0 : i32
    %swap3A_363 = arith.index_cast %swap3A_362 : i32 to index
    %swap3A_364 = arith.constant 80 : index
    %swap3A_365 = tpu.vector_load %arg7[%swap3A_363, %swap3A_364] {strides = array<i32>} : memref<112x128xf32, #tpu.memory_space<vmem>>, vector<1x16xf32>,
    %swap3A_366 = vector.shape_cast %swap3A_365 : vector<1x16xf32> to vector<16xf32>
    %swap3A_367 = vector.shape_cast %get3A_361 : vector<16xf32> to vector<1x16xf32>
    tpu.vector_store %arg7[%swap3A_363, %swap3A_364], %swap3A_367 {strides = array<i32>} : memref<112x128xf32, #tpu.memory_space<vmem>>, vector<1x16xf32>,
    %get3A_368 = arith.constant 96 : index
    %get3A_369 = tpu.vector_load %arg15[%get3A_368] {strides = array<i32>} : memref<640xf32, #tpu.memory_space<vmem>>, vector<16xf32>,
    %get3A_370 = vector.shape_cast %get3A_369 : vector<16xf32> to vector<16xf32>
    %swap3A_371 = arith.constant 0 : i32
    %swap3A_372 = arith.index_cast %swap3A_371 : i32 to index
    %swap3A_373 = arith.constant 96 : index
    %swap3A_374 = tpu.vector_load %arg7[%swap3A_372, %swap3A_373] {strides = array<i32>} : memref<112x128xf32, #tpu.memory_space<vmem>>, vector<1x16xf32>,
    %swap3A_375 = vector.shape_cast %swap3A_374 : vector<1x16xf32> to vector<16xf32>
    %swap3A_376 = vector.shape_cast %get3A_370 : vector<16xf32> to vector<1x16xf32>
    tpu.vector_store %arg7[%swap3A_372, %swap3A_373], %swap3A_376 {strides = array<i32>} : memref<112x128xf32, #tpu.memory_space<vmem>>, vector<1x16xf32>,
    %get3A_377 = arith.constant 112 : index
    %get3A_378 = tpu.vector_load %arg15[%get3A_377] {strides = array<i32>} : memref<640xf32, #tpu.memory_space<vmem>>, vector<16xf32>,
    %get3A_379 = vector.shape_cast %get3A_378 : vector<16xf32> to vector<16xf32>
    %swap3A_380 = arith.constant 0 : i32
    %swap3A_381 = arith.index_cast %swap3A_380 : i32 to index
    %swap3A_382 = arith.constant 112 : index
    %swap3A_383 = tpu.vector_load %arg7[%swap3A_381, %swap3A_382] {strides = array<i32>} : memref<112x128xf32, #tpu.memory_space<vmem>>, vector<1x16xf32>,
    %swap3A_384 = vector.shape_cast %swap3A_383 : vector<1x16xf32> to vector<16xf32>
    %swap3A_385 = vector.shape_cast %get3A_379 : vector<16xf32> to vector<1x16xf32>
    tpu.vector_store %arg7[%swap3A_381, %swap3A_382], %swap3A_385 {strides = array<i32>} : memref<112x128xf32, #tpu.memory_space<vmem>>, vector<1x16xf32>,
    %get3A_386 = arith.constant 128 : index
    %get3A_387 = tpu.vector_load %arg15[%get3A_386] {strides = array<i32>} : memref<640xf32, #tpu.memory_space<vmem>>, vector<16xf32>,
    %get3A_388 = vector.shape_cast %get3A_387 : vector<16xf32> to vector<16xf32>
    %swap3A_389 = arith.constant 1 : i32
    %swap3A_390 = arith.index_cast %swap3A_389 : i32 to index
    %swap3A_391 = arith.constant 0 : index
    %swap3A_392 = tpu.vector_load %arg7[%swap3A_390, %swap3A_391] {strides = array<i32>} : memref<112x128xf32, #tpu.memory_space<vmem>>, vector<1x16xf32>,
    %swap3A_393 = vector.shape_cast %swap3A_392 : vector<1x16xf32> to vector<16xf32>
    %swap3A_394 = vector.shape_cast %get3A_388 : vector<16xf32> to vector<1x16xf32>
    tpu.vector_store %arg7[%swap3A_390, %swap3A_391], %swap3A_394 {strides = array<i32>} : memref<112x128xf32, #tpu.memory_space<vmem>>, vector<1x16xf32>,
    %get3A_395 = arith.constant 144 : index
    %get3A_396 = tpu.vector_load %arg15[%get3A_395] {strides = array<i32>} : memref<640xf32, #tpu.memory_space<vmem>>, vector<16xf32>,
    %get3A_397 = vector.shape_cast %get3A_396 : vector<16xf32> to vector<16xf32>
    %swap3A_398 = arith.constant 1 : i32
    %swap3A_399 = arith.index_cast %swap3A_398 : i32 to index
    %swap3A_400 = arith.constant 16 : index
    %swap3A_401 = tpu.vector_load %arg7[%swap3A_399, %swap3A_400] {strides = array<i32>} : memref<112x128xf32, #tpu.memory_space<vmem>>, vector<1x16xf32>,
    %swap3A_402 = vector.shape_cast %swap3A_401 : vector<1x16xf32> to vector<16xf32>
    %swap3A_403 = vector.shape_cast %get3A_397 : vector<16xf32> to vector<1x16xf32>
    tpu.vector_store %arg7[%swap3A_399, %swap3A_400], %swap3A_403 {strides = array<i32>} : memref<112x128xf32, #tpu.memory_space<vmem>>, vector<1x16xf32>,
    %get3A_404 = arith.constant 160 : index
    %get3A_405 = tpu.vector_load %arg15[%get3A_404] {strides = array<i32>} : memref<640xf32, #tpu.memory_space<vmem>>, vector<16xf32>,
    %get3A_406 = vector.shape_cast %get3A_405 : vector<16xf32> to vector<16xf32>
    %swap3A_407 = arith.constant 1 : i32
    %swap3A_408 = arith.index_cast %swap3A_407 : i32 to index
    %swap3A_409 = arith.constant 32 : index
    %swap3A_410 = tpu.vector_load %arg7[%swap3A_408, %swap3A_409] {strides = array<i32>} : memref<112x128xf32, #tpu.memory_space<vmem>>, vector<1x16xf32>,
    %swap3A_411 = vector.shape_cast %swap3A_410 : vector<1x16xf32> to vector<16xf32>
    %swap3A_412 = vector.shape_cast %get3A_406 : vector<16xf32> to vector<1x16xf32>
    tpu.vector_store %arg7[%swap3A_408, %swap3A_409], %swap3A_412 {strides = array<i32>} : memref<112x128xf32, #tpu.memory_space<vmem>>, vector<1x16xf32>,
    %get3A_413 = arith.constant 176 : index
    %get3A_414 = tpu.vector_load %arg15[%get3A_413] {strides = array<i32>} : memref<640xf32, #tpu.memory_space<vmem>>, vector<16xf32>,
    %get3A_415 = vector.shape_cast %get3A_414 : vector<16xf32> to vector<16xf32>
    %swap3A_416 = arith.constant 1 : i32
    %swap3A_417 = arith.index_cast %swap3A_416 : i32 to index
    %swap3A_418 = arith.constant 48 : index
    %swap3A_419 = tpu.vector_load %arg7[%swap3A_417, %swap3A_418] {strides = array<i32>} : memref<112x128xf32, #tpu.memory_space<vmem>>, vector<1x16xf32>,
    %swap3A_420 = vector.shape_cast %swap3A_419 : vector<1x16xf32> to vector<16xf32>
    %swap3A_421 = vector.shape_cast %get3A_415 : vector<16xf32> to vector<1x16xf32>
    tpu.vector_store %arg7[%swap3A_417, %swap3A_418], %swap3A_421 {strides = array<i32>} : memref<112x128xf32, #tpu.memory_space<vmem>>, vector<1x16xf32>,
    %get3A_422 = arith.constant 192 : index
    %get3A_423 = tpu.vector_load %arg15[%get3A_422] {strides = array<i32>} : memref<640xf32, #tpu.memory_space<vmem>>, vector<16xf32>,
    %get3A_424 = vector.shape_cast %get3A_423 : vector<16xf32> to vector<16xf32>
    %swap3A_425 = arith.constant 1 : i32
    %swap3A_426 = arith.index_cast %swap3A_425 : i32 to index
    %swap3A_427 = arith.constant 64 : index
    %swap3A_428 = tpu.vector_load %arg7[%swap3A_426, %swap3A_427] {strides = array<i32>} : memref<112x128xf32, #tpu.memory_space<vmem>>, vector<1x16xf32>,
    %swap3A_429 = vector.shape_cast %swap3A_428 : vector<1x16xf32> to vector<16xf32>
    %swap3A_430 = vector.shape_cast %get3A_424 : vector<16xf32> to vector<1x16xf32>
    tpu.vector_store %arg7[%swap3A_426, %swap3A_427], %swap3A_430 {strides = array<i32>} : memref<112x128xf32, #tpu.memory_space<vmem>>, vector<1x16xf32>,
    %get3A_431 = arith.constant 208 : index
    %get3A_432 = tpu.vector_load %arg15[%get3A_431] {strides = array<i32>} : memref<640xf32, #tpu.memory_space<vmem>>, vector<16xf32>,
    %get3A_433 = vector.shape_cast %get3A_432 : vector<16xf32> to vector<16xf32>
    %swap3A_434 = arith.constant 1 : i32
    %swap3A_435 = arith.index_cast %swap3A_434 : i32 to index
    %swap3A_436 = arith.constant 80 : index
    %swap3A_437 = tpu.vector_load %arg7[%swap3A_435, %swap3A_436] {strides = array<i32>} : memref<112x128xf32, #tpu.memory_space<vmem>>, vector<1x16xf32>,
    %swap3A_438 = vector.shape_cast %swap3A_437 : vector<1x16xf32> to vector<16xf32>
    %swap3A_439 = vector.shape_cast %get3A_433 : vector<16xf32> to vector<1x16xf32>
    tpu.vector_store %arg7[%swap3A_435, %swap3A_436], %swap3A_439 {strides = array<i32>} : memref<112x128xf32, #tpu.memory_space<vmem>>, vector<1x16xf32>,
    %get3A_440 = arith.constant 224 : index
    %get3A_441 = tpu.vector_load %arg15[%get3A_440] {strides = array<i32>} : memref<640xf32, #tpu.memory_space<vmem>>, vector<16xf32>,
    %get3A_442 = vector.shape_cast %get3A_441 : vector<16xf32> to vector<16xf32>
    %swap3A_443 = arith.constant 1 : i32
    %swap3A_444 = arith.index_cast %swap3A_443 : i32 to index
    %swap3A_445 = arith.constant 96 : index
    %swap3A_446 = tpu.vector_load %arg7[%swap3A_444, %swap3A_445] {strides = array<i32>} : memref<112x128xf32, #tpu.memory_space<vmem>>, vector<1x16xf32>,
    %swap3A_447 = vector.shape_cast %swap3A_446 : vector<1x16xf32> to vector<16xf32>
    %swap3A_448 = vector.shape_cast %get3A_442 : vector<16xf32> to vector<1x16xf32>
    tpu.vector_store %arg7[%swap3A_444, %swap3A_445], %swap3A_448 {strides = array<i32>} : memref<112x128xf32, #tpu.memory_space<vmem>>, vector<1x16xf32>,
    %get3A_449 = arith.constant 240 : index
    %get3A_450 = tpu.vector_load %arg15[%get3A_449] {strides = array<i32>} : memref<640xf32, #tpu.memory_space<vmem>>, vector<16xf32>,
    %get3A_451 = vector.shape_cast %get3A_450 : vector<16xf32> to vector<16xf32>
    %swap3A_452 = arith.constant 1 : i32
    %swap3A_453 = arith.index_cast %swap3A_452 : i32 to index
    %swap3A_454 = arith.constant 112 : index
    %swap3A_455 = tpu.vector_load %arg7[%swap3A_453, %swap3A_454] {strides = array<i32>} : memref<112x128xf32, #tpu.memory_space<vmem>>, vector<1x16xf32>,
    %swap3A_456 = vector.shape_cast %swap3A_455 : vector<1x16xf32> to vector<16xf32>
    %swap3A_457 = vector.shape_cast %get3A_451 : vector<16xf32> to vector<1x16xf32>
    tpu.vector_store %arg7[%swap3A_453, %swap3A_454], %swap3A_457 {strides = array<i32>} : memref<112x128xf32, #tpu.memory_space<vmem>>, vector<1x16xf32>,
    %get3A_458 = arith.constant 256 : index
    %get3A_459 = tpu.vector_load %arg15[%get3A_458] {strides = array<i32>} : memref<640xf32, #tpu.memory_space<vmem>>, vector<16xf32>,
    %get3A_460 = vector.shape_cast %get3A_459 : vector<16xf32> to vector<16xf32>
    %swap3A_461 = arith.constant 2 : i32
    %swap3A_462 = arith.index_cast %swap3A_461 : i32 to index
    %swap3A_463 = arith.constant 0 : index
    %swap3A_464 = tpu.vector_load %arg7[%swap3A_462, %swap3A_463] {strides = array<i32>} : memref<112x128xf32, #tpu.memory_space<vmem>>, vector<1x16xf32>,
    %swap3A_465 = vector.shape_cast %swap3A_464 : vector<1x16xf32> to vector<16xf32>
    %swap3A_466 = vector.shape_cast %get3A_460 : vector<16xf32> to vector<1x16xf32>
    tpu.vector_store %arg7[%swap3A_462, %swap3A_463], %swap3A_466 {strides = array<i32>} : memref<112x128xf32, #tpu.memory_space<vmem>>, vector<1x16xf32>,
    %get3A_467 = arith.constant 272 : index
    %get3A_468 = tpu.vector_load %arg15[%get3A_467] {strides = array<i32>} : memref<640xf32, #tpu.memory_space<vmem>>, vector<16xf32>,
    %get3A_469 = vector.shape_cast %get3A_468 : vector<16xf32> to vector<16xf32>
    %swap3A_470 = arith.constant 2 : i32
    %swap3A_471 = arith.index_cast %swap3A_470 : i32 to index
    %swap3A_472 = arith.constant 16 : index
    %swap3A_473 = tpu.vector_load %arg7[%swap3A_471, %swap3A_472] {strides = array<i32>} : memref<112x128xf32, #tpu.memory_space<vmem>>, vector<1x16xf32>,
    %swap3A_474 = vector.shape_cast %swap3A_473 : vector<1x16xf32> to vector<16xf32>
    %swap3A_475 = vector.shape_cast %get3A_469 : vector<16xf32> to vector<1x16xf32>
    tpu.vector_store %arg7[%swap3A_471, %swap3A_472], %swap3A_475 {strides = array<i32>} : memref<112x128xf32, #tpu.memory_space<vmem>>, vector<1x16xf32>,
    %get3A_476 = arith.constant 288 : index
    %get3A_477 = tpu.vector_load %arg15[%get3A_476] {strides = array<i32>} : memref<640xf32, #tpu.memory_space<vmem>>, vector<16xf32>,
    %get3A_478 = vector.shape_cast %get3A_477 : vector<16xf32> to vector<16xf32>
    %swap3A_479 = arith.constant 2 : i32
    %swap3A_480 = arith.index_cast %swap3A_479 : i32 to index
    %swap3A_481 = arith.constant 32 : index
    %swap3A_482 = tpu.vector_load %arg7[%swap3A_480, %swap3A_481] {strides = array<i32>} : memref<112x128xf32, #tpu.memory_space<vmem>>, vector<1x16xf32>,
    %swap3A_483 = vector.shape_cast %swap3A_482 : vector<1x16xf32> to vector<16xf32>
    %swap3A_484 = vector.shape_cast %get3A_478 : vector<16xf32> to vector<1x16xf32>
    tpu.vector_store %arg7[%swap3A_480, %swap3A_481], %swap3A_484 {strides = array<i32>} : memref<112x128xf32, #tpu.memory_space<vmem>>, vector<1x16xf32>,
    %get3A_485 = arith.constant 304 : index
    %get3A_486 = tpu.vector_load %arg15[%get3A_485] {strides = array<i32>} : memref<640xf32, #tpu.memory_space<vmem>>, vector<16xf32>,
    %get3A_487 = vector.shape_cast %get3A_486 : vector<16xf32> to vector<16xf32>
    %swap3A_488 = arith.constant 2 : i32
    %swap3A_489 = arith.index_cast %swap3A_488 : i32 to index
    %swap3A_490 = arith.constant 48 : index
    %swap3A_491 = tpu.vector_load %arg7[%swap3A_489, %swap3A_490] {strides = array<i32>} : memref<112x128xf32, #tpu.memory_space<vmem>>, vector<1x16xf32>,
    %swap3A_492 = vector.shape_cast %swap3A_491 : vector<1x16xf32> to vector<16xf32>
    %swap3A_493 = vector.shape_cast %get3A_487 : vector<16xf32> to vector<1x16xf32>
    tpu.vector_store %arg7[%swap3A_489, %swap3A_490], %swap3A_493 {strides = array<i32>} : memref<112x128xf32, #tpu.memory_space<vmem>>, vector<1x16xf32>,
    %get3A_494 = arith.constant 320 : index
    %get3A_495 = tpu.vector_load %arg15[%get3A_494] {strides = array<i32>} : memref<640xf32, #tpu.memory_space<vmem>>, vector<16xf32>,
    %get3A_496 = vector.shape_cast %get3A_495 : vector<16xf32> to vector<16xf32>
    %swap3A_497 = arith.constant 2 : i32
    %swap3A_498 = arith.index_cast %swap3A_497 : i32 to index
    %swap3A_499 = arith.constant 64 : index
    %swap3A_500 = tpu.vector_load %arg7[%swap3A_498, %swap3A_499] {strides = array<i32>} : memref<112x128xf32, #tpu.memory_space<vmem>>, vector<1x16xf32>,
    %swap3A_501 = vector.shape_cast %swap3A_500 : vector<1x16xf32> to vector<16xf32>
    %swap3A_502 = vector.shape_cast %get3A_496 : vector<16xf32> to vector<1x16xf32>
    tpu.vector_store %arg7[%swap3A_498, %swap3A_499], %swap3A_502 {strides = array<i32>} : memref<112x128xf32, #tpu.memory_space<vmem>>, vector<1x16xf32>,
    %get3A_503 = arith.constant 336 : index
    %get3A_504 = tpu.vector_load %arg15[%get3A_503] {strides = array<i32>} : memref<640xf32, #tpu.memory_space<vmem>>, vector<16xf32>,
    %get3A_505 = vector.shape_cast %get3A_504 : vector<16xf32> to vector<16xf32>
    %swap3A_506 = arith.constant 2 : i32
    %swap3A_507 = arith.index_cast %swap3A_506 : i32 to index
    %swap3A_508 = arith.constant 80 : index
    %swap3A_509 = tpu.vector_load %arg7[%swap3A_507, %swap3A_508] {strides = array<i32>} : memref<112x128xf32, #tpu.memory_space<vmem>>, vector<1x16xf32>,
    %swap3A_510 = vector.shape_cast %swap3A_509 : vector<1x16xf32> to vector<16xf32>
    %swap3A_511 = vector.shape_cast %get3A_505 : vector<16xf32> to vector<1x16xf32>
    tpu.vector_store %arg7[%swap3A_507, %swap3A_508], %swap3A_511 {strides = array<i32>} : memref<112x128xf32, #tpu.memory_space<vmem>>, vector<1x16xf32>,
    %get3A_512 = arith.constant 352 : index
    %get3A_513 = tpu.vector_load %arg15[%get3A_512] {strides = array<i32>} : memref<640xf32, #tpu.memory_space<vmem>>, vector<16xf32>,
    %get3A_514 = vector.shape_cast %get3A_513 : vector<16xf32> to vector<16xf32>
    %swap3A_515 = arith.constant 2 : i32
    %swap3A_516 = arith.index_cast %swap3A_515 : i32 to index
    %swap3A_517 = arith.constant 96 : index
    %swap3A_518 = tpu.vector_load %arg7[%swap3A_516, %swap3A_517] {strides = array<i32>} : memref<112x128xf32, #tpu.memory_space<vmem>>, vector<1x16xf32>,
    %swap3A_519 = vector.shape_cast %swap3A_518 : vector<1x16xf32> to vector<16xf32>
    %swap3A_520 = vector.shape_cast %get3A_514 : vector<16xf32> to vector<1x16xf32>
    tpu.vector_store %arg7[%swap3A_516, %swap3A_517], %swap3A_520 {strides = array<i32>} : memref<112x128xf32, #tpu.memory_space<vmem>>, vector<1x16xf32>,
    %get3A_521 = arith.constant 368 : index
    %get3A_522 = tpu.vector_load %arg15[%get3A_521] {strides = array<i32>} : memref<640xf32, #tpu.memory_space<vmem>>, vector<16xf32>,
    %get3A_523 = vector.shape_cast %get3A_522 : vector<16xf32> to vector<16xf32>
    %swap3A_524 = arith.constant 2 : i32
    %swap3A_525 = arith.index_cast %swap3A_524 : i32 to index
    %swap3A_526 = arith.constant 112 : index
    %swap3A_527 = tpu.vector_load %arg7[%swap3A_525, %swap3A_526] {strides = array<i32>} : memref<112x128xf32, #tpu.memory_space<vmem>>, vector<1x16xf32>,
    %swap3A_528 = vector.shape_cast %swap3A_527 : vector<1x16xf32> to vector<16xf32>
    %swap3A_529 = vector.shape_cast %get3A_523 : vector<16xf32> to vector<1x16xf32>
    tpu.vector_store %arg7[%swap3A_525, %swap3A_526], %swap3A_529 {strides = array<i32>} : memref<112x128xf32, #tpu.memory_space<vmem>>, vector<1x16xf32>,
    %get3A_530 = arith.constant 384 : index
    %get3A_531 = tpu.vector_load %arg15[%get3A_530] {strides = array<i32>} : memref<640xf32, #tpu.memory_space<vmem>>, vector<16xf32>,
    %get3A_532 = vector.shape_cast %get3A_531 : vector<16xf32> to vector<16xf32>
    %swap3A_533 = arith.constant 3 : i32
    %swap3A_534 = arith.index_cast %swap3A_533 : i32 to index
    %swap3A_535 = arith.constant 0 : index
    %swap3A_536 = tpu.vector_load %arg7[%swap3A_534, %swap3A_535] {strides = array<i32>} : memref<112x128xf32, #tpu.memory_space<vmem>>, vector<1x16xf32>,
    %swap3A_537 = vector.shape_cast %swap3A_536 : vector<1x16xf32> to vector<16xf32>
    %swap3A_538 = vector.shape_cast %get3A_532 : vector<16xf32> to vector<1x16xf32>
    tpu.vector_store %arg7[%swap3A_534, %swap3A_535], %swap3A_538 {strides = array<i32>} : memref<112x128xf32, #tpu.memory_space<vmem>>, vector<1x16xf32>,
    %get3A_539 = arith.constant 400 : index
    %get3A_540 = tpu.vector_load %arg15[%get3A_539] {strides = array<i32>} : memref<640xf32, #tpu.memory_space<vmem>>, vector<16xf32>,
    %get3A_541 = vector.shape_cast %get3A_540 : vector<16xf32> to vector<16xf32>
    %swap3A_542 = arith.constant 3 : i32
    %swap3A_543 = arith.index_cast %swap3A_542 : i32 to index
    %swap3A_544 = arith.constant 16 : index
    %swap3A_545 = tpu.vector_load %arg7[%swap3A_543, %swap3A_544] {strides = array<i32>} : memref<112x128xf32, #tpu.memory_space<vmem>>, vector<1x16xf32>,
    %swap3A_546 = vector.shape_cast %swap3A_545 : vector<1x16xf32> to vector<16xf32>
    %swap3A_547 = vector.shape_cast %get3A_541 : vector<16xf32> to vector<1x16xf32>
    tpu.vector_store %arg7[%swap3A_543, %swap3A_544], %swap3A_547 {strides = array<i32>} : memref<112x128xf32, #tpu.memory_space<vmem>>, vector<1x16xf32>,
    %get3A_548 = arith.constant 416 : index
    %get3A_549 = tpu.vector_load %arg15[%get3A_548] {strides = array<i32>} : memref<640xf32, #tpu.memory_space<vmem>>, vector<16xf32>,
    %get3A_550 = vector.shape_cast %get3A_549 : vector<16xf32> to vector<16xf32>
    %swap3A_551 = arith.constant 3 : i32
    %swap3A_552 = arith.index_cast %swap3A_551 : i32 to index
    %swap3A_553 = arith.constant 32 : index
    %swap3A_554 = tpu.vector_load %arg7[%swap3A_552, %swap3A_553] {strides = array<i32>} : memref<112x128xf32, #tpu.memory_space<vmem>>, vector<1x16xf32>,
    %swap3A_555 = vector.shape_cast %swap3A_554 : vector<1x16xf32> to vector<16xf32>
    %swap3A_556 = vector.shape_cast %get3A_550 : vector<16xf32> to vector<1x16xf32>
    tpu.vector_store %arg7[%swap3A_552, %swap3A_553], %swap3A_556 {strides = array<i32>} : memref<112x128xf32, #tpu.memory_space<vmem>>, vector<1x16xf32>,
    %get3A_557 = arith.constant 432 : index
    %get3A_558 = tpu.vector_load %arg15[%get3A_557] {strides = array<i32>} : memref<640xf32, #tpu.memory_space<vmem>>, vector<16xf32>,
    %get3A_559 = vector.shape_cast %get3A_558 : vector<16xf32> to vector<16xf32>
    %swap3A_560 = arith.constant 3 : i32
    %swap3A_561 = arith.index_cast %swap3A_560 : i32 to index
    %swap3A_562 = arith.constant 48 : index
    %swap3A_563 = tpu.vector_load %arg7[%swap3A_561, %swap3A_562] {strides = array<i32>} : memref<112x128xf32, #tpu.memory_space<vmem>>, vector<1x16xf32>,
    %swap3A_564 = vector.shape_cast %swap3A_563 : vector<1x16xf32> to vector<16xf32>
    %swap3A_565 = vector.shape_cast %get3A_559 : vector<16xf32> to vector<1x16xf32>
    tpu.vector_store %arg7[%swap3A_561, %swap3A_562], %swap3A_565 {strides = array<i32>} : memref<112x128xf32, #tpu.memory_space<vmem>>, vector<1x16xf32>,
    %get3A_566 = arith.constant 448 : index
    %get3A_567 = tpu.vector_load %arg15[%get3A_566] {strides = array<i32>} : memref<640xf32, #tpu.memory_space<vmem>>, vector<16xf32>,
    %get3A_568 = vector.shape_cast %get3A_567 : vector<16xf32> to vector<16xf32>
    %swap3A_569 = arith.constant 3 : i32
    %swap3A_570 = arith.index_cast %swap3A_569 : i32 to index
    %swap3A_571 = arith.constant 64 : index
    %swap3A_572 = tpu.vector_load %arg7[%swap3A_570, %swap3A_571] {strides = array<i32>} : memref<112x128xf32, #tpu.memory_space<vmem>>, vector<1x16xf32>,
    %swap3A_573 = vector.shape_cast %swap3A_572 : vector<1x16xf32> to vector<16xf32>
    %swap3A_574 = vector.shape_cast %get3A_568 : vector<16xf32> to vector<1x16xf32>
    tpu.vector_store %arg7[%swap3A_570, %swap3A_571], %swap3A_574 {strides = array<i32>} : memref<112x128xf32, #tpu.memory_space<vmem>>, vector<1x16xf32>,
    %get3A_575 = arith.constant 464 : index
    %get3A_576 = tpu.vector_load %arg15[%get3A_575] {strides = array<i32>} : memref<640xf32, #tpu.memory_space<vmem>>, vector<16xf32>,
    %get3A_577 = vector.shape_cast %get3A_576 : vector<16xf32> to vector<16xf32>
    %swap3A_578 = arith.constant 3 : i32
    %swap3A_579 = arith.index_cast %swap3A_578 : i32 to index
    %swap3A_580 = arith.constant 80 : index
    %swap3A_581 = tpu.vector_load %arg7[%swap3A_579, %swap3A_580] {strides = array<i32>} : memref<112x128xf32, #tpu.memory_space<vmem>>, vector<1x16xf32>,
    %swap3A_582 = vector.shape_cast %swap3A_581 : vector<1x16xf32> to vector<16xf32>
    %swap3A_583 = vector.shape_cast %get3A_577 : vector<16xf32> to vector<1x16xf32>
    tpu.vector_store %arg7[%swap3A_579, %swap3A_580], %swap3A_583 {strides = array<i32>} : memref<112x128xf32, #tpu.memory_space<vmem>>, vector<1x16xf32>,
    %get3A_584 = arith.constant 480 : index
    %get3A_585 = tpu.vector_load %arg15[%get3A_584] {strides = array<i32>} : memref<640xf32, #tpu.memory_space<vmem>>, vector<16xf32>,
    %get3A_586 = vector.shape_cast %get3A_585 : vector<16xf32> to vector<16xf32>
    %swap3A_587 = arith.constant 3 : i32
    %swap3A_588 = arith.index_cast %swap3A_587 : i32 to index
    %swap3A_589 = arith.constant 96 : index
    %swap3A_590 = tpu.vector_load %arg7[%swap3A_588, %swap3A_589] {strides = array<i32>} : memref<112x128xf32, #tpu.memory_space<vmem>>, vector<1x16xf32>,
    %swap3A_591 = vector.shape_cast %swap3A_590 : vector<1x16xf32> to vector<16xf32>
    %swap3A_592 = vector.shape_cast %get3A_586 : vector<16xf32> to vector<1x16xf32>
    tpu.vector_store %arg7[%swap3A_588, %swap3A_589], %swap3A_592 {strides = array<i32>} : memref<112x128xf32, #tpu.memory_space<vmem>>, vector<1x16xf32>,
    %get3A_593 = arith.constant 496 : index
    %get3A_594 = tpu.vector_load %arg15[%get3A_593] {strides = array<i32>} : memref<640xf32, #tpu.memory_space<vmem>>, vector<16xf32>,
    %get3A_595 = vector.shape_cast %get3A_594 : vector<16xf32> to vector<16xf32>
    %swap3A_596 = arith.constant 3 : i32
    %swap3A_597 = arith.index_cast %swap3A_596 : i32 to index
    %swap3A_598 = arith.constant 112 : index
    %swap3A_599 = tpu.vector_load %arg7[%swap3A_597, %swap3A_598] {strides = array<i32>} : memref<112x128xf32, #tpu.memory_space<vmem>>, vector<1x16xf32>,
    %swap3A_600 = vector.shape_cast %swap3A_599 : vector<1x16xf32> to vector<16xf32>
    %swap3A_601 = vector.shape_cast %get3A_595 : vector<16xf32> to vector<1x16xf32>
    tpu.vector_store %arg7[%swap3A_597, %swap3A_598], %swap3A_601 {strides = array<i32>} : memref<112x128xf32, #tpu.memory_space<vmem>>, vector<1x16xf32>,
    %get3A_602 = arith.constant 512 : index
    %get3A_603 = tpu.vector_load %arg15[%get3A_602] {strides = array<i32>} : memref<640xf32, #tpu.memory_space<vmem>>, vector<16xf32>,
    %get3A_604 = vector.shape_cast %get3A_603 : vector<16xf32> to vector<16xf32>
    %swap3A_605 = arith.constant 4 : i32
    %swap3A_606 = arith.index_cast %swap3A_605 : i32 to index
    %swap3A_607 = arith.constant 0 : index
    %swap3A_608 = tpu.vector_load %arg7[%swap3A_606, %swap3A_607] {strides = array<i32>} : memref<112x128xf32, #tpu.memory_space<vmem>>, vector<1x16xf32>,
    %swap3A_609 = vector.shape_cast %swap3A_608 : vector<1x16xf32> to vector<16xf32>
    %swap3A_610 = vector.shape_cast %get3A_604 : vector<16xf32> to vector<1x16xf32>
    tpu.vector_store %arg7[%swap3A_606, %swap3A_607], %swap3A_610 {strides = array<i32>} : memref<112x128xf32, #tpu.memory_space<vmem>>, vector<1x16xf32>,
    %get3A_611 = arith.constant 528 : index
    %get3A_612 = tpu.vector_load %arg15[%get3A_611] {strides = array<i32>} : memref<640xf32, #tpu.memory_space<vmem>>, vector<16xf32>,
    %get3A_613 = vector.shape_cast %get3A_612 : vector<16xf32> to vector<16xf32>
    %swap3A_614 = arith.constant 4 : i32
    %swap3A_615 = arith.index_cast %swap3A_614 : i32 to index
    %swap3A_616 = arith.constant 16 : index
    %swap3A_617 = tpu.vector_load %arg7[%swap3A_615, %swap3A_616] {strides = array<i32>} : memref<112x128xf32, #tpu.memory_space<vmem>>, vector<1x16xf32>,
    %swap3A_618 = vector.shape_cast %swap3A_617 : vector<1x16xf32> to vector<16xf32>
    %swap3A_619 = vector.shape_cast %get3A_613 : vector<16xf32> to vector<1x16xf32>
    tpu.vector_store %arg7[%swap3A_615, %swap3A_616], %swap3A_619 {strides = array<i32>} : memref<112x128xf32, #tpu.memory_space<vmem>>, vector<1x16xf32>,
    %get3A_620 = arith.constant 544 : index
    %get3A_621 = tpu.vector_load %arg15[%get3A_620] {strides = array<i32>} : memref<640xf32, #tpu.memory_space<vmem>>, vector<16xf32>,
    %get3A_622 = vector.shape_cast %get3A_621 : vector<16xf32> to vector<16xf32>
    %swap3A_623 = arith.constant 4 : i32
    %swap3A_624 = arith.index_cast %swap3A_623 : i32 to index
    %swap3A_625 = arith.constant 32 : index
    %swap3A_626 = tpu.vector_load %arg7[%swap3A_624, %swap3A_625] {strides = array<i32>} : memref<112x128xf32, #tpu.memory_space<vmem>>, vector<1x16xf32>,
    %swap3A_627 = vector.shape_cast %swap3A_626 : vector<1x16xf32> to vector<16xf32>
    %swap3A_628 = vector.shape_cast %get3A_622 : vector<16xf32> to vector<1x16xf32>
    tpu.vector_store %arg7[%swap3A_624, %swap3A_625], %swap3A_628 {strides = array<i32>} : memref<112x128xf32, #tpu.memory_space<vmem>>, vector<1x16xf32>,
    %get3A_629 = arith.constant 560 : index
    %get3A_630 = tpu.vector_load %arg15[%get3A_629] {strides = array<i32>} : memref<640xf32, #tpu.memory_space<vmem>>, vector<16xf32>,
    %get3A_631 = vector.shape_cast %get3A_630 : vector<16xf32> to vector<16xf32>
    %swap3A_632 = arith.constant 4 : i32
    %swap3A_633 = arith.index_cast %swap3A_632 : i32 to index
    %swap3A_634 = arith.constant 48 : index
    %swap3A_635 = tpu.vector_load %arg7[%swap3A_633, %swap3A_634] {strides = array<i32>} : memref<112x128xf32, #tpu.memory_space<vmem>>, vector<1x16xf32>,
    %swap3A_636 = vector.shape_cast %swap3A_635 : vector<1x16xf32> to vector<16xf32>
    %swap3A_637 = vector.shape_cast %get3A_631 : vector<16xf32> to vector<1x16xf32>
    tpu.vector_store %arg7[%swap3A_633, %swap3A_634], %swap3A_637 {strides = array<i32>} : memref<112x128xf32, #tpu.memory_space<vmem>>, vector<1x16xf32>,
    %get3A_638 = arith.constant 576 : index
    %get3A_639 = tpu.vector_load %arg15[%get3A_638] {strides = array<i32>} : memref<640xf32, #tpu.memory_space<vmem>>, vector<16xf32>,
    %get3A_640 = vector.shape_cast %get3A_639 : vector<16xf32> to vector<16xf32>
    %swap3A_641 = arith.constant 4 : i32
    %swap3A_642 = arith.index_cast %swap3A_641 : i32 to index
    %swap3A_643 = arith.constant 64 : index
    %swap3A_644 = tpu.vector_load %arg7[%swap3A_642, %swap3A_643] {strides = array<i32>} : memref<112x128xf32, #tpu.memory_space<vmem>>, vector<1x16xf32>,
    %swap3A_645 = vector.shape_cast %swap3A_644 : vector<1x16xf32> to vector<16xf32>
    %swap3A_646 = vector.shape_cast %get3A_640 : vector<16xf32> to vector<1x16xf32>
    tpu.vector_store %arg7[%swap3A_642, %swap3A_643], %swap3A_646 {strides = array<i32>} : memref<112x128xf32, #tpu.memory_space<vmem>>, vector<1x16xf32>,
    %get3A_647 = arith.constant 592 : index
    %get3A_648 = tpu.vector_load %arg15[%get3A_647] {strides = array<i32>} : memref<640xf32, #tpu.memory_space<vmem>>, vector<16xf32>,
    %get3A_649 = vector.shape_cast %get3A_648 : vector<16xf32> to vector<16xf32>
    %swap3A_650 = arith.constant 4 : i32
    %swap3A_651 = arith.index_cast %swap3A_650 : i32 to index
    %swap3A_652 = arith.constant 80 : index
    %swap3A_653 = tpu.vector_load %arg7[%swap3A_651, %swap3A_652] {strides = array<i32>} : memref<112x128xf32, #tpu.memory_space<vmem>>, vector<1x16xf32>,
    %swap3A_654 = vector.shape_cast %swap3A_653 : vector<1x16xf32> to vector<16xf32>
    %swap3A_655 = vector.shape_cast %get3A_649 : vector<16xf32> to vector<1x16xf32>
    tpu.vector_store %arg7[%swap3A_651, %swap3A_652], %swap3A_655 {strides = array<i32>} : memref<112x128xf32, #tpu.memory_space<vmem>>, vector<1x16xf32>,
    %get3A_656 = arith.constant 608 : index
    %get3A_657 = tpu.vector_load %arg15[%get3A_656] {strides = array<i32>} : memref<640xf32, #tpu.memory_space<vmem>>, vector<16xf32>,
    %get3A_658 = vector.shape_cast %get3A_657 : vector<16xf32> to vector<16xf32>
    %swap3A_659 = arith.constant 4 : i32
    %swap3A_660 = arith.index_cast %swap3A_659 : i32 to index
    %swap3A_661 = arith.constant 96 : index
    %swap3A_662 = tpu.vector_load %arg7[%swap3A_660, %swap3A_661] {strides = array<i32>} : memref<112x128xf32, #tpu.memory_space<vmem>>, vector<1x16xf32>,
    %swap3A_663 = vector.shape_cast %swap3A_662 : vector<1x16xf32> to vector<16xf32>
    %swap3A_664 = vector.shape_cast %get3A_658 : vector<16xf32> to vector<1x16xf32>
    tpu.vector_store %arg7[%swap3A_660, %swap3A_661], %swap3A_664 {strides = array<i32>} : memref<112x128xf32, #tpu.memory_space<vmem>>, vector<1x16xf32>,
    %get3A_665 = arith.constant 624 : index
    %get3A_666 = tpu.vector_load %arg15[%get3A_665] {strides = array<i32>} : memref<640xf32, #tpu.memory_space<vmem>>, vector<16xf32>,
    %get3A_667 = vector.shape_cast %get3A_666 : vector<16xf32> to vector<16xf32>
    %swap3A_668 = arith.constant 4 : i32
    %swap3A_669 = arith.index_cast %swap3A_668 : i32 to index
    %swap3A_670 = arith.constant 112 : index
    %swap3A_671 = tpu.vector_load %arg7[%swap3A_669, %swap3A_670] {strides = array<i32>} : memref<112x128xf32, #tpu.memory_space<vmem>>, vector<1x16xf32>,
    %swap3A_672 = vector.shape_cast %swap3A_671 : vector<1x16xf32> to vector<16xf32>
    %swap3A_673 = vector.shape_cast %get3A_667 : vector<16xf32> to vector<1x16xf32>
    tpu.vector_store %arg7[%swap3A_669, %swap3A_670], %swap3A_673 {strides = array<i32>} : memref<112x128xf32, #tpu.memory_space<vmem>>, vector<1x16xf32>,
    %mul3A_674 = arith.constant 8 : i32
    %mul3A_675 = arith.muli %arg1, %mul3A_674 : i32
    %multiple_of3A_676 = tpu.assume_multiple %mul3A_675, 8 : i32
    "tpu.region"() ({
      %run_scoped3A = tpu.sem_alloc : memref<!tpu.dma_semaphore, #tpu.memory_space<semaphore_mem>>
      %dma_start3A_677 = arith.constant 0 : i32
      %dma_start3A_678 = arith.constant 0 : i32
      %dma_start3A_679 = tpu.memref_slice %arg7[%dma_start3A_677, %dma_start3A_678] : memref<112x128xf32, #tpu.memory_space<vmem>> -> memref<8x128xf32, #tpu.memory_space<vmem>>
      %dma_start3A_680 = arith.constant 0 : i32
      %dma_start3A_681 = tpu.memref_slice %arg6[%arg0, %multiple_of3A_676, %dma_start3A_680] : memref<2x128x128xf32, #tpu.memory_space<hbm>> -> memref<1x8x128xf32, #tpu.memory_space<hbm>>
      %dma_start3A_682 = tpu.memref_squeeze %dma_start3A_681 : memref<1x8x128xf32, #tpu.memory_space<hbm>> -> memref<8x128xf32, #tpu.memory_space<hbm>>
      %dma_start3A_683 = arith.constant 0 : i32
      %dma_start3A_684 = tpu.memref_slice %arg6[%arg0, %multiple_of3A_676, %dma_start3A_683] : memref<2x128x128xf32, #tpu.memory_space<hbm>> -> memref<1x8x128xf32, #tpu.memory_space<hbm>>
      %dma_start3A_685 = tpu.memref_squeeze %dma_start3A_684 : memref<1x8x128xf32, #tpu.memory_space<hbm>> -> memref<8x128xf32, #tpu.memory_space<hbm>>
      %dma_start3A_686 = arith.constant 0 : i32
      %dma_start3A_687 = arith.constant 0 : i32
      %dma_start3A_688 = tpu.memref_slice %arg7[%dma_start3A_686, %dma_start3A_687] : memref<112x128xf32, #tpu.memory_space<vmem>> -> memref<8x128xf32, #tpu.memory_space<vmem>>
      tpu.enqueue_dma source(%dma_start3A_688 : memref<8x128xf32, #tpu.memory_space<vmem>>) target(%dma_start3A_685 : memref<8x128xf32, #tpu.memory_space<hbm>>) target_semaphore(%run_scoped3A : memref<!tpu.dma_semaphore, #tpu.memory_space<semaphore_mem>>)
      %dma_wait3A_689 = arith.constant 0 : i32
      %dma_wait3A_690 = arith.constant 0 : i32
      %dma_wait3A_691 = tpu.memref_slice %arg7[%dma_wait3A_689, %dma_wait3A_690] : memref<112x128xf32, #tpu.memory_space<vmem>> -> memref<8x128xf32, #tpu.memory_space<vmem>>
      %dma_wait3A_692 = arith.constant 0 : i32
      %dma_wait3A_693 = tpu.memref_slice %arg6[%arg0, %multiple_of3A_676, %dma_wait3A_692] : memref<2x128x128xf32, #tpu.memory_space<hbm>> -> memref<1x8x128xf32, #tpu.memory_space<hbm>>
      %dma_wait3A_694 = tpu.memref_squeeze %dma_wait3A_693 : memref<1x8x128xf32, #tpu.memory_space<hbm>> -> memref<8x128xf32, #tpu.memory_space<hbm>>
      %dma_wait3A_695 = arith.constant 0 : i32
      %dma_wait3A_696 = tpu.memref_slice %arg6[%arg0, %multiple_of3A_676, %dma_wait3A_695] : memref<2x128x128xf32, #tpu.memory_space<hbm>> -> memref<1x8x128xf32, #tpu.memory_space<hbm>>
      %dma_wait3A_697 = tpu.memref_squeeze %dma_wait3A_696 : memref<1x8x128xf32, #tpu.memory_space<hbm>> -> memref<8x128xf32, #tpu.memory_space<hbm>>
      %dma_wait3A_698 = arith.constant 0 : i32
      %dma_wait3A_699 = arith.constant 0 : i32
      %dma_wait3A_700 = tpu.memref_slice %arg7[%dma_wait3A_698, %dma_wait3A_699] : memref<112x128xf32, #tpu.memory_space<vmem>> -> memref<8x128xf32, #tpu.memory_space<vmem>>
      tpu.wait_dma2 semaphore(%run_scoped3A : memref<!tpu.dma_semaphore, #tpu.memory_space<semaphore_mem>>) src(%dma_wait3A_700 : memref<8x128xf32, #tpu.memory_space<vmem>>) dst(%dma_wait3A_697 : memref<8x128xf32, #tpu.memory_space<hbm>>)
      tpu.yield
    }) : () -> ()
    return
  }
}

module attributes {stable_mosaic.version = 14 : i64} {
  func.func @_mm_relu_body(%arg0: i32, %arg1: memref<6400x128xf32, #tpu.memory_space<vmem>>, %arg2: memref<128x128xf32, #tpu.memory_space<vmem>>, %arg3: memref<1x128xf32, #tpu.memory_space<vmem>>, %arg4: memref<6400x128xf32, #tpu.memory_space<vmem>>) attributes {dimension_semantics = [#tpu.dimension_semantics<arbitrary>], iteration_bounds = array<i64: 50>, scalar_prefetch = 0 : i64, scratch_operands = 0 : i64, tpu.core_type = #tpu.core_type<tc>, window_params = [{transform_indices = @transform_0, window_bounds = array<i64: 6400, 128>}, {pipeline_mode = #tpu.pipeline_mode<synchronous>, transform_indices = @transform_1, window_bounds = array<i64: 128, 128>}, {pipeline_mode = #tpu.pipeline_mode<synchronous>, transform_indices = @transform_2, window_bounds = array<i64: 1, 128>}, {transform_indices = @transform_3, window_bounds = array<i64: 6400, 128>}]} {
    %get3A = arith.constant 0 : index
    %get3A_0 = arith.constant 0 : index
    %get3A_1 = vector.load %arg1[%get3A, %get3A_0] : memref<6400x128xf32, #tpu.memory_space<vmem>>, vector<6400x128xf32>
    %convert_element_type3A = arith.truncf %get3A_1 : vector<6400x128xf32> to vector<6400x128xbf16>
    %get3A_2 = arith.constant 0 : index
    %get3A_3 = arith.constant 0 : index
    %get3A_4 = vector.load %arg2[%get3A_2, %get3A_3] : memref<128x128xf32, #tpu.memory_space<vmem>>, vector<128x128xf32>
    %convert_element_type3A_5 = arith.truncf %get3A_4 : vector<128x128xf32> to vector<128x128xbf16>
    %dot_general3A = arith.constant dense<0.000000e+00> : vector<6400x128xf32>
    %dot_general3A_6 = tpu.matmul %convert_element_type3A, %convert_element_type3A_5, %dot_general3A {dimension_numbers = #tpu.dot_dimension_numbers<[1], [0], [0], [1], [0, 0, 1, 1], [], []>, transpose_lhs_hint = false} : vector<6400x128xbf16>, vector<128x128xbf16>, vector<6400x128xf32> -> vector<6400x128xf32>
    %get3A_7 = arith.constant 0 : index
    %get3A_8 = arith.constant 0 : index
    %get3A_9 = vector.load %arg3[%get3A_7, %get3A_8] : memref<1x128xf32, #tpu.memory_space<vmem>>, vector<1x128xf32>
    %add3A = vector.broadcast %get3A_9 : vector<1x128xf32> to vector<6400x128xf32>
    %add3A_10 = arith.addf %dot_general3A_6, %add3A : vector<6400x128xf32>
    %max3A = arith.constant 0.000000e+00 : f32
    %max3A_11 = vector.broadcast %max3A : f32 to vector<6400x128xf32>
    %max3A_12 = arith.maximumf %add3A_10, %max3A_11 : vector<6400x128xf32>
    %swap3A = arith.constant 0 : index
    %swap3A_13 = arith.constant 0 : index
    %swap3A_14 = vector.load %arg4[%swap3A, %swap3A_13] : memref<6400x128xf32, #tpu.memory_space<vmem>>, vector<6400x128xf32>
    tpu.vector_store %arg4[%swap3A, %swap3A_13], %max3A_12 {strides = array<i32>} : memref<6400x128xf32, #tpu.memory_space<vmem>>, vector<6400x128xf32>,
    return
  }
  func.func @transform_0(%arg0: i32) -> (i32, i32) {
    %c0_i32 = arith.constant 0 : i32
    %c0_i32_0 = arith.constant 0 : i32
    return %arg0, %c0_i32 : i32, i32
  }
  func.func @transform_1(%arg0: i32) -> (i32, i32) {
    %c0_i32 = arith.constant 0 : i32
    %c0_i32_0 = arith.constant 0 : i32
    %c0_i32_1 = arith.constant 0 : i32
    return %c0_i32, %c0_i32_0 : i32, i32
  }
  func.func @transform_2(%arg0: i32) -> (i32, i32) {
    %c0_i32 = arith.constant 0 : i32
    %c0_i32_0 = arith.constant 0 : i32
    %c0_i32_1 = arith.constant 0 : i32
    return %c0_i32, %c0_i32_0 : i32, i32
  }
  func.func @transform_3(%arg0: i32) -> (i32, i32) {
    %c0_i32 = arith.constant 0 : i32
    %c0_i32_0 = arith.constant 0 : i32
    return %arg0, %c0_i32 : i32, i32
  }
}

module attributes {stable_mosaic.version = 14 : i64} {
  func.func @_update_body(%arg0: i32, %arg1: memref<2x2000x128xf32, #tpu.memory_space<vmem>>, %arg2: memref<2000x2xf32, #tpu.memory_space<vmem>>, %arg3: memref<2000x128xf32, #tpu.memory_space<vmem>>, %arg4: memref<128x128xf32, #tpu.memory_space<vmem>>, %arg5: memref<128x128xf32, #tpu.memory_space<vmem>>, %arg6: memref<1x128xf32, #tpu.memory_space<vmem>>, %arg7: memref<2000x128xf32, #tpu.memory_space<vmem>>) attributes {dimension_semantics = [#tpu.dimension_semantics<arbitrary>], iteration_bounds = array<i64: 5>, scalar_prefetch = 0 : i64, scratch_operands = 0 : i64, tpu.core_type = #tpu.core_type<tc>, window_params = [{transform_indices = @transform_0, window_bounds = array<i64: 2, 2000, 128>}, {transform_indices = @transform_1, window_bounds = array<i64: 2000, 2>}, {transform_indices = @transform_2, window_bounds = array<i64: 2000, 128>}, {pipeline_mode = #tpu.pipeline_mode<synchronous>, transform_indices = @transform_3, window_bounds = array<i64: 128, 128>}, {pipeline_mode = #tpu.pipeline_mode<synchronous>, transform_indices = @transform_4, window_bounds = array<i64: 128, 128>}, {pipeline_mode = #tpu.pipeline_mode<synchronous>, transform_indices = @transform_5, window_bounds = array<i64: 1, 128>}, {transform_indices = @transform_6, window_bounds = array<i64: 2000, 128>}]} {
    %get3A = arith.constant 0 : index
    %get3A_0 = arith.constant 0 : index
    %get3A_1 = arith.constant 0 : index
    %get3A_2 = vector.load %arg1[%get3A, %get3A_0, %get3A_1] : memref<2x2000x128xf32, #tpu.memory_space<vmem>>, vector<1x2000x128xf32>
    %get3A_3 = vector.shape_cast %get3A_2 : vector<1x2000x128xf32> to vector<2000x128xf32>
    %get3A_4 = arith.constant 1 : index
    %get3A_5 = arith.constant 0 : index
    %get3A_6 = arith.constant 0 : index
    %get3A_7 = vector.load %arg1[%get3A_4, %get3A_5, %get3A_6] : memref<2x2000x128xf32, #tpu.memory_space<vmem>>, vector<1x2000x128xf32>
    %get3A_8 = vector.shape_cast %get3A_7 : vector<1x2000x128xf32> to vector<2000x128xf32>
    %add3A = arith.addf %get3A_3, %get3A_8 : vector<2000x128xf32>
    %get3A_9 = arith.constant 0 : index
    %get3A_10 = arith.constant 0 : index
    %get3A_11 = vector.load %arg2[%get3A_9, %get3A_10] : memref<2000x2xf32, #tpu.memory_space<vmem>>, vector<2000x2xf32>
    %reduce_sum3A = arith.constant dense<0.000000e+00> : vector<2000xf32>
    %reduce_sum3A_12 = vector.multi_reduction <add>, %get3A_11, %reduce_sum3A [1] : vector<2000x2xf32> to vector<2000xf32>
    %broadcast_in_dim3A = vector.shape_cast %reduce_sum3A_12 : vector<2000xf32> to vector<2000x1xf32>
    %max3A = arith.constant 1.000000e+00 : f32
    %max3A_13 = vector.broadcast %max3A : f32 to vector<2000x1xf32>
    %max3A_14 = arith.maximumf %broadcast_in_dim3A, %max3A_13 : vector<2000x1xf32>
    %div3A = vector.broadcast %max3A_14 : vector<2000x1xf32> to vector<2000x128xf32>
    %div3A_15 = arith.divf %add3A, %div3A : vector<2000x128xf32>
    %get3A_16 = arith.constant 0 : index
    %get3A_17 = arith.constant 0 : index
    %get3A_18 = vector.load %arg4[%get3A_16, %get3A_17] : memref<128x128xf32, #tpu.memory_space<vmem>>, vector<128x128xf32>
    %dot_general3A = arith.constant dense<0.000000e+00> : vector<2000x128xf32>
    %dot_general3A_19 = tpu.matmul %div3A_15, %get3A_18, %dot_general3A {dimension_numbers = #tpu.dot_dimension_numbers<[1], [0], [0], [1], [0, 0, 1, 1], [], []>, transpose_lhs_hint = false} : vector<2000x128xf32>, vector<128x128xf32>, vector<2000x128xf32> -> vector<2000x128xf32>
    %get3A_20 = arith.constant 0 : index
    %get3A_21 = arith.constant 0 : index
    %get3A_22 = vector.load %arg3[%get3A_20, %get3A_21] : memref<2000x128xf32, #tpu.memory_space<vmem>>, vector<2000x128xf32>
    %get3A_23 = arith.constant 0 : index
    %get3A_24 = arith.constant 0 : index
    %get3A_25 = vector.load %arg5[%get3A_23, %get3A_24] : memref<128x128xf32, #tpu.memory_space<vmem>>, vector<128x128xf32>
    %dot_general3A_26 = arith.constant dense<0.000000e+00> : vector<2000x128xf32>
    %dot_general3A_27 = tpu.matmul %get3A_22, %get3A_25, %dot_general3A_26 {dimension_numbers = #tpu.dot_dimension_numbers<[1], [0], [0], [1], [0, 0, 1, 1], [], []>, transpose_lhs_hint = false} : vector<2000x128xf32>, vector<128x128xf32>, vector<2000x128xf32> -> vector<2000x128xf32>
    %add3A_28 = arith.addf %dot_general3A_19, %dot_general3A_27 : vector<2000x128xf32>
    %get3A_29 = arith.constant 0 : index
    %get3A_30 = arith.constant 0 : index
    %get3A_31 = vector.load %arg6[%get3A_29, %get3A_30] : memref<1x128xf32, #tpu.memory_space<vmem>>, vector<1x128xf32>
    %add3A_32 = vector.broadcast %get3A_31 : vector<1x128xf32> to vector<2000x128xf32>
    %add3A_33 = arith.addf %add3A_28, %add3A_32 : vector<2000x128xf32>
    %max3A_34 = arith.constant 0.000000e+00 : f32
    %max3A_35 = vector.broadcast %max3A_34 : f32 to vector<2000x128xf32>
    %max3A_36 = arith.maximumf %add3A_33, %max3A_35 : vector<2000x128xf32>
    %mul3A = arith.mulf %max3A_36, %max3A_36 : vector<2000x128xf32>
    %reduce_sum3A_37 = arith.constant dense<0.000000e+00> : vector<2000xf32>
    %reduce_sum3A_38 = vector.multi_reduction <add>, %mul3A, %reduce_sum3A_37 [1] : vector<2000x128xf32> to vector<2000xf32>
    %broadcast_in_dim3A_39 = vector.shape_cast %reduce_sum3A_38 : vector<2000xf32> to vector<2000x1xf32>
    %sqrt3A = math.sqrt %broadcast_in_dim3A_39 : vector<2000x1xf32>
    %max3A_40 = arith.constant 9.99999996E-13 : f32
    %max3A_41 = vector.broadcast %max3A_40 : f32 to vector<2000x1xf32>
    %max3A_42 = arith.maximumf %sqrt3A, %max3A_41 : vector<2000x1xf32>
    %div3A_43 = vector.broadcast %max3A_42 : vector<2000x1xf32> to vector<2000x128xf32>
    %div3A_44 = arith.divf %max3A_36, %div3A_43 : vector<2000x128xf32>
    %swap3A = arith.constant 0 : index
    %swap3A_45 = arith.constant 0 : index
    %swap3A_46 = vector.load %arg7[%swap3A, %swap3A_45] : memref<2000x128xf32, #tpu.memory_space<vmem>>, vector<2000x128xf32>
    tpu.vector_store %arg7[%swap3A, %swap3A_45], %div3A_44 {strides = array<i32>} : memref<2000x128xf32, #tpu.memory_space<vmem>>, vector<2000x128xf32>,
    return
  }
  func.func @transform_0(%arg0: i32) -> (i32, i32, i32) {
    %c0_i32 = arith.constant 0 : i32
    %c0_i32_0 = arith.constant 0 : i32
    %c0_i32_1 = arith.constant 0 : i32
    return %c0_i32, %arg0, %c0_i32_0 : i32, i32, i32
  }
  func.func @transform_1(%arg0: i32) -> (i32, i32) {
    %c0_i32 = arith.constant 0 : i32
    %c0_i32_0 = arith.constant 0 : i32
    return %arg0, %c0_i32 : i32, i32
  }
  func.func @transform_2(%arg0: i32) -> (i32, i32) {
    %c0_i32 = arith.constant 0 : i32
    %c0_i32_0 = arith.constant 0 : i32
    return %arg0, %c0_i32 : i32, i32
  }
  func.func @transform_3(%arg0: i32) -> (i32, i32) {
    %c0_i32 = arith.constant 0 : i32
    %c0_i32_0 = arith.constant 0 : i32
    %c0_i32_1 = arith.constant 0 : i32
    return %c0_i32, %c0_i32_0 : i32, i32
  }
  func.func @transform_4(%arg0: i32) -> (i32, i32) {
    %c0_i32 = arith.constant 0 : i32
    %c0_i32_0 = arith.constant 0 : i32
    %c0_i32_1 = arith.constant 0 : i32
    return %c0_i32, %c0_i32_0 : i32, i32
  }
  func.func @transform_5(%arg0: i32) -> (i32, i32) {
    %c0_i32 = arith.constant 0 : i32
    %c0_i32_0 = arith.constant 0 : i32
    %c0_i32_1 = arith.constant 0 : i32
    return %c0_i32, %c0_i32_0 : i32, i32
  }
  func.func @transform_6(%arg0: i32) -> (i32, i32) {
    %c0_i32 = arith.constant 0 : i32
    %c0_i32_0 = arith.constant 0 : i32
    return %arg0, %c0_i32 : i32, i32
  }
}

</mosaic_0001>

<sc_bundles>
// kernel: kernel.5.cloned.1.call-start
scs
__scs_entry_jumppad:
0x0: {  	(pc) =	sbr.rel $0x88, $3  }
0x1: {  	(tag) =	ssettag $0x0;
	lr =	simm.s32 $0x1  }
0x2: {  	[smem:$0x3F9A] =	sst lr;
	_ =	strace $0xD0000000  }
0x3: {  	_ = 	snop  }
0x4: {  	_ = 	snop  }
0x5: {  	_ = 	snop  }
0x6: {  	_ = 	snop  }
0x7: {  	_ = 	snop  }
__scs_overlays_trampoline_lowered:
0x8: {  	[smem:$0x3FA9] =	sst s0  }
0x9: {  	[smem:$0x3FAA] =	sst s1  }
0xa: {  	[smem:$0x3FAB] =	sst s2  }
0xb: {  	[smem:$0x3FAC] =	sst s3  }
0xc: {  	[smem:$0x3FAD] =	sst s4  }
0xd: {  	[smem:$0x3FAE] =	sst s5  }
0xe: {  	[smem:$0x3FAF] =	sst s6  }
0xf: {  	[smem:$0x3FB0] =	sst s7  }
0x10: {  	[smem:$0x3FB1] =	sst s8  }
0x11: {  	[smem:$0x3FB2] =	sst s9;
	s0 =	simm.s32 @!p0 $0x0  }
0x12: {  	s1 =	sld [smem:$0x3F98];
	s0 =	simm.s32 @p0 $0x1  }
0x13: {  	[smem:$0x3FB3] =	sst s0;
	s0 =	simm.s32 @!p1 $0x0  }
0x14: {  	s2 =	sld [smem:$0x3F97];
	s0 =	simm.s32 @p1 $0x1  }
0x15: {  	[smem:$0x3FB4] =	sst s0;
	s0 =	simm.s32 @!p2 $0x0  }
0x16: {  	s3 =	sld [smem:$0x3FDB];
	s0 =	simm.s32 @p2 $0x1  }
0x17: {  	s4 =	simm.s32 $0x1BF5;
	[smem:$0x3FB6] =	sst s0  }
0x18: {  	s0 =	sld [smem:$0x3F99];
	_ =	swait.ge [sflag:s4], $0x0  }
0x19: {  	s7 =	sld [smem:$0x3F9A]  }
0x1a: {  	s8 =	sadd.s32 $0xFFFFE003, lr  }
0x1b: {  	s9 =	sadd.s32 $0xFFFFFEF7, lr;
	s5 =	simm.s32 $0xFFFFFFFF;
	p2 =	slt.u32 s8, $0xFFFFF086  }
0x1c: {  	p1 =	slt.u32 s9, $0xF7A;
	s5 =	simm.s32 @!p2 $0x0  }
0x1d: {  	s5 =	simm.s32 @p1 $0x1;
	p0 =	seq.s32 s7, s2  }
0x1e: {  	s7 =	smul.u32 @!p0 $0xF7A, s2;
	p2 =	seq.s32 @!p0 s5, $0x0  }
0x1f: {  	s9 =	smul.u32 $0xF7A, s1;
	s8 =	simm.s32 @!p0 $0x1BF5;
	p2 =	por !p2, p0  }
0x20: {  	[sflag:s8] =	ssyncset.s32 @!p0 $0xFFFFF086;
	s6 =	sadd.s32 @!p0 s3, s7;
	s7 =	simm.s32 @!p0 $0x108  }
0x21: {  	s3 =	sadd.s32 s3, s9;
	s6 =	sadd.s32 @!p0 $0x88, s6;
	s7 =	simm.s32 @p2 $0x1082  }
0x22: {  	[simem:s7], [sflag:s8] =	dma.local @!p0 [hbm:s6], $0xF7A  }
0x23: {  	s9 =	sor.u32 $0xD0000000, s2;
	s6 =	simm.s32 $0x108;
	_ =	swait.ge @!p0 [sflag:s8], $0x0  }
0x24: {  	s3 =	sadd.s32 $0x88, s3;
	s6 =	simm.s32 @!p1 $0x1082;
	[sflag:s4] =	ssyncset.s32 $0xFFFFF086  }
0x25: {  	[simem:s6], [sflag:s4] =	dma.local [hbm:s3], $0xF7A  }
0x26: {  	[smem:$0x3F9A] =	sst s1;
	(tag) =	ssettag s2;
	_ =	strace s9  }
0x27: {  	s1 =	sld [smem:$0x3FAA]  }
0x28: {  	s2 =	sld [smem:$0x3FAB]  }
0x29: {  	s4 =	sld [smem:$0x3FAD]  }
0x2a: {  	p0 =	seq.s32 s5, $0x0;
	s5 =	sld [smem:$0x3FAE]  }
0x2b: {  	s6 =	sld [smem:$0x3FAF]  }
0x2c: {  	s7 =	sld [smem:$0x3FB0]  }
0x2d: {  	s3 =	simm.s32 $0x108;
	s8 =	sld [smem:$0x3FB1]  }
0x2e: {  	s3 =	simm.s32 @!p0 $0x1082;
	s9 =	sld [smem:$0x3FB2]  }
0x2f: {  	lr =	sadd.s32 s0, s3;
	s0 =	sld [smem:$0x3FA9]  }
0x30: {  	s3 =	sld [smem:$0x3FAC]  }
0x31: {  	[smem:$0x3FB5] =	sst s10  }
0x32: {  	s10 =	sld [smem:$0x3FB3];
	_ =	sdelay $0x3  }
0x33: {  	p0 =	seq.s32 s10, $0x1;
	s10 =	sld [smem:$0x3FB5];
	_ =	sdelay $0x3  }
0x34: {  	[smem:$0x3FB5] =	sst s10  }
0x35: {  	s10 =	sld [smem:$0x3FB4];
	_ =	sdelay $0x3  }
0x36: {  	p1 =	seq.s32 s10, $0x1;
	s10 =	sld [smem:$0x3FB5];
	_ =	sdelay $0x3  }
0x37: {  	[smem:$0x3FB5] =	sst s10  }
0x38: {  	s10 =	sld [smem:$0x3FB6]  }
0x39: {  	_ = 	snop;
	(pc) =	sbr.ind lr, $3  }
0x3a: {  	_ = 	snop  }
0x3b: {  	_ = 	snop  }
0x3c: {  	p2 =	seq.s32 s10, $0x1;
	s10 =	sld [smem:$0x3FB5]  }
0x3d: {  	_ =	shalt  }
0x3e: {  	_ =	shalt  }
0x3f: {  	_ =	shalt  }
0x40: {  	_ =	shalt  }
0x41: {  	_ =	shalt  }
0x42: {  	_ =	shalt  }
0x43: {  	_ =	shalt  }
0x44: {  	_ =	shalt  }
0x45: {  	_ =	shalt  }
0x46: {  	_ =	shalt  }
0x47: {  	_ =	shalt  }
0x48: {  	_ =	shalt  }
0x49: {  	_ =	shalt  }
0x4a: {  	_ =	shalt  }
0x4b: {  	_ =	shalt  }
0x4c: {  	_ =	shalt  }
0x4d: {  	_ =	shalt  }
0x4e: {  	_ =	shalt  }
0x4f: {  	_ =	shalt  }
0x50: {  	_ =	shalt  }
0x51: {  	_ =	shalt  }
0x52: {  	_ =	shalt  }
0x53: {  	_ =	shalt  }
0x54: {  	_ =	shalt  }
0x55: {  	_ =	shalt  }
0x56: {  	_ =	shalt  }
0x57: {  	_ =	shalt  }
0x58: {  	_ =	shalt  }
0x59: {  	_ =	shalt  }
0x5a: {  	_ =	shalt  }
0x5b: {  	_ =	shalt  }
0x5c: {  	_ =	shalt  }
0x5d: {  	_ =	shalt  }
0x5e: {  	_ =	shalt  }
0x5f: {  	_ =	shalt  }
0x60: {  	_ =	shalt  }
0x61: {  	_ =	shalt  }
0x62: {  	_ =	shalt  }
0x63: {  	_ =	shalt  }
0x64: {  	_ =	shalt  }
0x65: {  	_ =	shalt  }
0x66: {  	_ =	shalt  }
0x67: {  	_ =	shalt  }
0x68: {  	_ =	shalt  }
0x69: {  	_ =	shalt  }
0x6a: {  	_ =	shalt  }
0x6b: {  	_ =	shalt  }
0x6c: {  	_ =	shalt  }
0x6d: {  	_ =	shalt  }
0x6e: {  	_ =	shalt  }
0x6f: {  	_ =	shalt  }
0x70: {  	_ =	shalt  }
0x71: {  	_ =	shalt  }
0x72: {  	_ =	shalt  }
0x73: {  	_ =	shalt  }
0x74: {  	_ =	shalt  }
0x75: {  	_ =	shalt  }
0x76: {  	_ =	shalt  }
0x77: {  	_ =	shalt  }
0x78: {  	_ =	shalt  }
0x79: {  	_ =	shalt  }
0x7a: {  	_ =	shalt  }
0x7b: {  	_ =	shalt  }
0x7c: {  	_ =	shalt  }
0x7d: {  	_ =	shalt  }
0x7e: {  	_ =	shalt  }
0x7f: {  	_ =	shalt  }
0x80: {  	_ =	shalt  }
0x81: {  	_ =	shalt  }
0x82: {  	_ =	shalt  }
0x83: {  	_ =	shalt  }
0x84: {  	_ =	shalt  }
0x85: {  	_ =	shalt  }
0x86: {  	_ =	shalt  }
0x87: {  	_ =	shalt  }
.Lfunc_end0:
.L_simem_size_0:
called_computation_lowered:
.L_overlay_start_0:
0x88: {  	s2 =	sld [smem:$0x3FD9]  }
0x89: {  	s3 =	sld [smem:$0x3FFE];
	_ =	sdelay $0x1  }
0x8a: {  	s1 =	srdreg.scid  }
0x8b: {  	s0 =	sand.u32 $0x1, s1  }
0x8c: {  	s17 =	sshll.u32 s0, $0xA;
	s2 =	sadd.s32 s3, s2  }
0x8d: {  	s2 =	sadd.s32 s2, s17  }
0x8e: {  	[smem:$0x3FC1] =	sst s2  }
0x8f: {  	_ = 	snop  }
0x90: {  	s2 =	sld [smem:$0x3FD0];
	(tm) =	ssettm $0x1  }
0x91: {  	s18 =	sld [smem:$0x3FFB];
	_ =	sdelay $0x3  }
0x92: {  	_ =	strace s18  }
0x93: {  	s3 =	sld [smem:$0x3FFC];
	_ =	sdelay $0x3  }
0x94: {  	_ =	strace s3  }
0x95: {  	s3 =	sld [smem:$0x3FFD];
	_ =	sdelay $0x3  }
0x96: {  	_ =	strace s3  }
0x97: {  	_ =	strace $0x8FFFFFFF  }
0x98: {  	s19 =	sld [smem:$0x3FDB];
	_ =	sdelay $0x1  }
0x99: {  	s4 =	simm.s32 $_scs_section_size  }
0x9a: {  	s5 =	simm.s32 $_size__tile_overlayer_lowered;
	s6 =	simm.s32 $_tile_overlayer_lowered  }
0x9b: {  	s22 =	simm.s32 $0x1BFF;
	s21 =	sshll.u32 s6, $0x1;
	s3 =	sadd.s32 s4, s19  }
0x9c: {  	s7 =	simm.s32 $0x0;
	s20 =	sshll.u32 s5, $0x1;
	s5 =	sadd.s32 s21, s3  }
0x9d: {  	[timem:s7], [sflag:s22] =	dma.local [hbm:s5], s20  }
0x9e: {  	_ =	swait.ge [sflag:s22], s20  }
0x9f: {  	s4 =	ssub.s32 $0x0, s20;
	[sflag:s22] =	ssyncset.done $0x0  }
0xa0: {  	[sflag:s22] =	ssyncadd.s32 s4;
	_ =	sdelay $0x1  }
0xa1: {  	s23 =	simm.s32 $0x1B8B  }
0xa2: {  	_ =	swait.ge [sflag:s23], $0x1  }
0xa3: {  	[sflag:s23] =	ssyncset.done $0x0  }
0xa4: {  	s25 =	simm.s32 $0x1B8E;
	s24 =	sld [smem:$0x3FFE];
	[sflag:s23] =	ssyncadd.s32 $0xFFFFFFFF  }
0xa5: {  	s26 =	simm.s32 $execute0_lowered;
	[smem:$0x3FD2] =	sst s25  }
0xa6: {  	s5 =	sshll.u32 s26, $0x1;
	_ =	strace $0x80000046;
	[dreg:$0x1] =	wrdreg $0xFFFFFFFF  }
0xa7: {  	s28 =	simm.s32 $_size_execute0_lowered;
	s3 =	sadd.s32 s3, s5;
	[dreg:$0x0] =	wrdreg $0x0  }
0xa8: {  	s5 =	sshll.u32 s28, $0x1;
	[dreg:$0x2] =	wrdreg s3  }
0xa9: {  	[dreg:$0x3] =	wrdreg s5  }
0xaa: {  	[dreg:$0x4] =	wrdreg $0xC0  }
0xab: {  	_ =	task [dreg:s7], $0x5FFFF  }
0xac: {  	[dreg:$0x1] =	wrdreg $0xFFFFFFFF  }
0xad: {  	[dreg:$0x0] =	wrdreg $0x60  }
0xae: {  	[dreg:$0x2] =	wrdreg s24  }
0xaf: {  	[dreg:$0x3] =	wrdreg s2  }
0xb0: {  	[dreg:$0x4] =	wrdreg $0xAD000  }
0xb1: {  	[dreg:$0x5] =	wrdreg $0x1ED000  }
0xb2: {  	[dreg:$0x6] =	wrdreg $0x9  }
0xb3: {  	_ =	task.clear_ibuf [dreg:s7], $0x7FFFF;
	_ =	strace $0x90000046  }
0xb4: {  	s29 =	simm.s32 $0x9;
	_ =	strace $0x80000048  }
0xb5: {  	_ =	swait.ge [sflag:s29], $0x1  }
0xb6: {  	[sflag:s29] =	ssyncadd.s32 $0xFFFFFFFF  }
0xb7: {  	_ =	strace $0x90000048  }
0xb8: {  	_ =	sfence  }
0xb9: {  	s30 =	sld [smem:$0x0];
	_ =	sdelay $0x2  }
0xba: {  	s31 =	sshll.u32 s1, $0xD;
	s1 =	sshrl.u32 s1, $0x2  }
0xbb: {  	s3 =	sand.u32 $0x4000, s31;
	s1 =	sadd.s32 s1, s30  }
0xbc: {  	s0 =	sor.u32 s3, s0;
	s1 =	sshll.u32 s1, $0x11  }
0xbd: {  	s0 =	sor.u32 s1, s0  }
0xbe: {  	s0 =	sadd.s32 $0x8F2B, s0  }
0xbf: {  	[sflag:s0] =	ssyncadd.remote.s32 $0x1  }
0xc0: {  	_ =	sfence.sel $0xFFFF  }
0xc1: {  	[dreg:$0x0] =	wrdreg $0xFFFFFFFF;
	(pc) =	sbr.abs _section_cstart, $3  }
0xc2: {  	[dreg:$0x1] =	wrdreg $0xFFFFFFFF  }
0xc3: {  	_ =	task.clear_ibuf [dreg:s7], $0x2FFFF;
	_ =	strace $0x9FFFFFFF  }
0xc4: {  	(tm) =	ssettm $0x7FFFFFFF  }
0xc5: {  	_ =	shalt  }
tec
execute0_lowered:
.L_overlay_start_1:
0x0: {  	(tag) =	ssettag $0x1  }
0x1: {  	s0 =	rddreg [dreg:$0x0]  }
0x2: {  	s2 =	rddreg [dreg:$0x1]  }
0x3: {  	s3 =	rddreg [dreg:$0x2]  }
0x4: {  	s4 =	rddreg [dreg:$0x3]  }
0x5: {  	s15 =	stileid.u32;
	s1 =	srdreg.scid;
	s5 =	simm.s32 $0x0  }
0x6: {  	s28 =	simm.s32 $0xA800;
	s29 =	simm.s32 $0x3800;
	s7 =	smul.u32 $0x14000, s15  }
0x7: {  	s30 =	simm.s32 $0xA880;
	s31 =	simm.s32 $0x1;
	s16 =	smul.u32 $0x50000, s15  }
0x8: {  	s1 =	sand.u32 $0x1, s1;
	[smem:$0x7FF] =	sst s5;
	s11 =	smul.u32 $0xA00, s15  }
0x9: {  	s6 =	sadd.s32 $0x1C00, s0;
	s10 =	sshll.u32 s15, $0x7;
	s14 =	smul.u32 $0x2710, s15  }
0xa: {  	s18 =	sshll.u32 s15, $0x6;
	s8 =	smul.u32 $0x140000, s1;
	_ =	strace $0x80000047  }
0xb: {  	s17 =	ssub.s32 $0x2, s1;
	s12 =	smul.u32 $0x27100, s1;
	s9 =	sshrl.u32 s7, $0x3  }
0xc: {  	s13 =	sshrl.u32 s17, $0x1;
	s11 =	sshrl.u32 s11, $0x2;
	s7 =	sadd.s32 s7, s8  }
0xd: {  	s26 =	sadd.s32 s9, s0;
	s9 =	sshrl.u32 s16, $0x2;
	s23 =	sadd.s32 s11, s4  }
0xe: {  	s16 =	sshll.u32 s1, $0xB;
	s1 =	smul.u32 $0x271000, s1;
	s7 =	sshrl.u32 s7, $0x3  }
0xf: {  	s9 =	sadd.s32 s9, s3;
	s8 =	sadd.s32 $0x4E3C00, s26;
	[dreg:$0x9] =	wrdreg s23  }
0x10: {  	s7 =	sadd.s32 s7, s0;
	s0 =	sadd.s32 s10, s0;
	[dreg:$0x6] =	wrdreg s9  }
0x11: {  	s10 =	ssub.s32 s17, s13;
	[dreg:$0x7] =	wrdreg s8;
	s9 =	sadd.s32 s14, s12  }
0x12: {  	s13 =	sor.u32 $0x1C0D, s18;
	s18 =	smul.u32 $0x27100, s15;
	s1 =	sadd.s32 s1, s6  }
0x13: {  	s15 =	simm.s32 $0x2;
	s19 =	sshll.u32 s9, $0x4;
	s20 =	sshrl.u32 s9, $0x3  }
0x14: {  	s21 =	sadd.s32 $0x70, s9;
	s25 =	sadd.s32 $0xE0, s9;
	s12 =	sadd.s32 $0x26F0, s9  }
0x15: {  	s7 =	sadd.s32 $0x50CC00, s7;
	s0 =	sadd.s32 s16, s0;
	s16 =	simm.s32 $0x5  }
0x16: {  	[dreg:$0x8] =	wrdreg s13;
	s8 =	sadd.s32 s6, s19;
	s22 =	sshll.u32 s21, $0x4  }
0x17: {  	s11 =	sshrl.u32 s21, $0x3;
	s26 =	sshll.u32 s25, $0x4;
	s14 =	sshrl.u32 s12, $0x3  }
0x18: {  	[dreg:$0x11] =	wrdreg s7;
	s0 =	sadd.s32 $0x50BC00, s0;
	s19 =	smax.u32 s10, $0x1  }
0x19: {  	s7 =	simm.s32 $0xAA00;
	s10 =	simm.s32 $0xC;
	[dreg:$0xa] =	wrdreg s8  }
0x1a: {  	s8 =	sadd.s32 s2, s20;
	s24 =	sadd.s32 s2, s11;
	[dreg:$0x13] =	wrdreg s0  }
0x1b: {  	s11 =	sadd.s32 s6, s26;
	s17 =	sadd.s32 s2, s14;
	[dreg:$0x14] =	wrdreg s19  }
0x1c: {  	s20 =	sadd.s32 $0x1C0, s9;
	s0 =	sadd.s32 s18, s1;
	s1 =	simm.s32 $0x70  }
0x1d: {  	s14 =	simm.s32 $0xA900;
	s18 =	simm.s32 $0xA;
	[dreg:$0xb] =	wrdreg s8  }
0x1e: {  	s19 =	simm.s32 $0x3;
	s26 =	simm.s32 $0x9;
	[dreg:$0xd] =	wrdreg s24  }
0x1f: {  	s8 =	sadd.s32 s6, s22;
	[dreg:$0xe] =	wrdreg s11;
	s11 =	sshll.u32 s12, $0x4  }
0x20: {  	[dreg:$0x12] =	wrdreg s17;
	s21 =	sshrl.u32 s20, $0x3;
	s22 =	sadd.s32 $0x150, s9  }
0x21: {  	s0 =	sadd.s32 $0x1C00, s0;
	s12 =	simm.s32 $0xD;
	[dreg:$0xc] =	wrdreg s8  }
0x22: {  	s17 =	simm.s32 $0x7;
	s20 =	simm.s32 $0x6;
	[dreg:$0x15] =	wrdreg s0  }
0x23: {  	s8 =	sshrl.u32 s25, $0x3;
	s24 =	sadd.s32 s21, s2;
	[dreg:$0x5] =	wrdreg s22  }
0x24: {  	s0 =	simm.s32 $0x4;
	s25 =	simm.s32 $0x0;
	[dreg:$0x16] =	wrdreg s24  }
0x25: {  	s21 =	simm.s32 $0x8;
	s8 =	sadd.s32 s2, s8;
	[dreg:$0x17] =	wrdreg s25  }
0x26: {  	s22 =	simm.s32 $0xB;
	[dreg:$0xf] =	wrdreg s8;
	s8 =	sadd.s32 s6, s11  }
0x27: {  	v0 =	vimm.f32 $1.000000000e+00;
	v1 =	vimm.f32 $0.0e+00;
	s24 =	simm.s32 $0xAA80;
	[dreg:$0x10] =	wrdreg s8;
	s8 =	simm.s32 $0x7000  }
.LBB2_1:
0x28: {  	[tilespmem:$0xAA00] =	vst v0  }
0x29: {  	[tilespmem:$0xAA10] =	vst v0  }
0x2a: {  	[tilespmem:$0xAA20] =	vst v0  }
0x2b: {  	[tilespmem:$0xAA30] =	vst v0  }
0x2c: {  	[tilespmem:$0xAA40] =	vst v0  }
0x2d: {  	[tilespmem:$0xAA50] =	vst v0  }
0x2e: {  	[tilespmem:$0xAA60] =	vst v0  }
0x2f: {  	[tilespmem:$0xAA80] =	vst v1  }
0x30: {  	[tilespmem:$0xAA90] =	vst v1  }
0x31: {  	[tilespmem:$0xAAA0] =	vst v1  }
0x32: {  	[tilespmem:$0xAAB0] =	vst v1  }
0x33: {  	[tilespmem:$0xAAC0] =	vst v1  }
0x34: {  	[tilespmem:$0xAAD0] =	vst v1  }
0x35: {  	[tilespmem:$0xAAE0] =	vst v1  }
0x36: {  	[tilespmem:$0xAAF0] =	vst v1  }
0x37: {  	[tilespmem:$0xAB00] =	vst v1  }
0x38: {  	[tilespmem:$0xAB10] =	vst v1  }
0x39: {  	[tilespmem:$0xAB20] =	vst v1  }
0x3a: {  	[tilespmem:$0xAB30] =	vst v1  }
0x3b: {  	[tilespmem:$0xAB40] =	vst v1  }
0x3c: {  	[tilespmem:$0xAB50] =	vst v1  }
0x3d: {  	[tilespmem:$0xAB60] =	vst v1  }
0x3e: {  	[tilespmem:$0xAB70] =	vst v1  }
0x3f: {  	[tilespmem:$0xAB80] =	vst v1  }
0x40: {  	[tilespmem:$0xAB90] =	vst v1  }
0x41: {  	[tilespmem:$0xABA0] =	vst v1  }
0x42: {  	[tilespmem:$0xABB0] =	vst v1  }
0x43: {  	[tilespmem:$0xABC0] =	vst v1  }
0x44: {  	[tilespmem:$0xABD0] =	vst v1  }
0x45: {  	[tilespmem:$0xABE0] =	vst v1  }
0x46: {  	[tilespmem:$0xABF0] =	vst v1  }
0x47: {  	[tilespmem:$0xAC00] =	vst v1  }
0x48: {  	[tilespmem:$0xAC10] =	vst v1  }
0x49: {  	[tilespmem:$0xAC20] =	vst v1  }
0x4a: {  	[tilespmem:$0xAC30] =	vst v1  }
0x4b: {  	[tilespmem:$0xAC40] =	vst v1  }
0x4c: {  	[tilespmem:$0xAC50] =	vst v1  }
0x4d: {  	[tilespmem:$0xAC60] =	vst v1  }
0x4e: {  	[tilespmem:$0xAC70] =	vst v1  }
0x4f: {  	[tilespmem:$0xAC80] =	vst v1  }
0x50: {  	[tilespmem:$0xAC90] =	vst v1  }
0x51: {  	[tilespmem:$0xACA0] =	vst v1  }
0x52: {  	[tilespmem:$0xACB0] =	vst v1  }
0x53: {  	[tilespmem:$0xACC0] =	vst v1  }
0x54: {  	[tilespmem:$0xACD0] =	vst v1;
	s11 =	rddreg [dreg:$0x6]  }
0x55: {  	[tilespmem:$0xACE0] =	vst v1;
	s25 =	sshrl.u32 s11, $0x3;
	s11 =	rddreg [dreg:$0x7]  }
0x56: {  	[tilespmem:$0xACF0] =	vst v1;
	[dreg:$0x18] =	wrdreg s25  }
0x57: {  	[spmem:s25], [sflag:s13] =	dma.local [hbm:s11], $0x2800  }
0x58: {  	_ =	swait.ge [sflag:s12], $0x2800  }
0x59: {  	[sflag:s12] =	ssyncset.done $0x0  }
0x5a: {  	[sflag:s12] =	ssyncadd.s32 $0xFFFFD800  }
0x5b: {  	[spmem:s23] =	stream.linear.scatter [tilespmem:s24], [sflag:$0xD], $0x280, $0x38;
	[tilespmem:$0x1EF80] =	vst v63  }
0x5c: {  	_ =	swait.ge [sflag:s12], $0x280  }
0x5d: {  	[sflag:s12] =	ssyncset.done $0x0  }
0x5e: {  	[sflag:s12] =	ssyncadd.s32 $0xFFFFFD80  }
0x5f: {  	[bflag:$0x0] =	sbarrier.arrive $0xFFFF  }
0x60: {  	s12 =	rddreg [dreg:$0xa]  }
0x61: {  	[tilespmem:s5], [sflag:$0x1] =	stream.linear.gather [hbm4b:s12+s5], $0x3800, $0x38;
	[tilespmem:$0x1EF80] =	vst v63  }
0x62: {  	s13 =	rddreg [dreg:$0xb]  }
0x63: {  	[tilespmem:s28], [sflag:$0x4] =	stream.linear.gather [hbm4b:s13+s5], $0x70, $0x38;
	[tilespmem:$0x1EF80] =	vst v63  }
0x64: {  	s23 =	rddreg [dreg:$0xc]  }
0x65: {  	[tilespmem:s29], [sflag:$0x2] =	stream.linear.gather [hbm4b:s23+s5], $0x3800, $0x38;
	[tilespmem:$0x1EF80] =	vst v63  }
0x66: {  	s24 =	rddreg [dreg:$0xd]  }
0x67: {  	[tilespmem:s30], [sflag:$0x5] =	stream.linear.gather [hbm4b:s24+s5], $0x70, $0x38;
	[tilespmem:$0x1EF80] =	vst v63  }
0x68: {  	_ =	swait.ge [sflag:s31], $0x3800  }
0x69: {  	[sflag:s31] =	ssyncset.done $0x0  }
0x6a: {  	[sflag:s31] =	ssyncadd.s32 $0xFFFFC800  }
0x6b: {  	_ =	swait.ge [sflag:s0], $0x70  }
0x6c: {  	[sflag:s0] =	ssyncset.done $0x0  }
0x6d: {  	[sflag:s0] =	ssyncadd.s32 $0xFFFFFF90  }
0x6e: {  	[spmem:s3] =	stream.indirect.scatter.add.f32 [tilespmem:s5], [sflag:$0x7], $0x80, s28, s1, $0xb8;
	[tilespmem:$0x1EF80] =	vst v63  }
0x6f: {  	_ = 	snop  }
0x70: {  	[spmem:s4] =	stream.indirect.scatter.add.f32 [tilespmem:s7], [sflag:$0xA], $0x1, s28, s1, $0xb8;
	[tilespmem:$0x1EF80] =	vst v63  }
0x71: {  	s25 =	rddreg [dreg:$0xe]  }
0x72: {  	[tilespmem:s8], [sflag:$0x3] =	stream.linear.gather [hbm4b:s25+s5], $0x3800, $0x38;
	[tilespmem:$0x1EF80] =	vst v63  }
0x73: {  	s12 =	rddreg [dreg:$0xf]  }
0x74: {  	[tilespmem:s14], [sflag:$0x6] =	stream.linear.gather [hbm4b:s12+s5], $0x70, $0x38;
	[tilespmem:$0x1EF80] =	vst v63  }
0x75: {  	_ =	swait.ge [sflag:s15], $0x3800  }
0x76: {  	[sflag:s15] =	ssyncset.done $0x0  }
0x77: {  	[sflag:s15] =	ssyncadd.s32 $0xFFFFC800  }
0x78: {  	_ =	swait.ge [sflag:s16], $0x70  }
0x79: {  	[sflag:s16] =	ssyncset.done $0x0  }
0x7a: {  	[sflag:s16] =	ssyncadd.s32 $0xFFFFFF90  }
0x7b: {  	[spmem:s3] =	stream.indirect.scatter.add.f32 [tilespmem:s29], [sflag:$0x8], $0x80, s30, s1, $0xb8;
	[tilespmem:$0x1EF80] =	vst v63  }
0x7c: {  	_ = 	snop  }
0x7d: {  	[spmem:s4] =	stream.indirect.scatter.add.f32 [tilespmem:s7], [sflag:$0xB], $0x1, s30, s1, $0xb8;
	[tilespmem:$0x1EF80] =	vst v63  }
0x7e: {  	_ =	swait.ge [sflag:s17], $0x3800  }
0x7f: {  	[sflag:s17] =	ssyncset.done $0x0  }
0x80: {  	[sflag:s17] =	ssyncadd.s32 $0xFFFFC800  }
0x81: {  	_ =	swait.ge [sflag:s18], $0x70  }
0x82: {  	s13 =	rddreg [dreg:$0x5]  }
0x83: {  	[sflag:s18] =	ssyncset.done $0x0;
	s25 =	rddreg [dreg:$0x15]  }
0x84: {  	[sflag:s18] =	ssyncadd.s32 $0xFFFFFF90;
	s23 =	sadd.s32 $0xFFFFF900, s25;
	s11 =	sadd.s32 $0x230, s13  }
0x85: {  	[tilespmem:s5], [sflag:$0x1] =	stream.linear.gather [hbm4b:s23+s5], $0x3800, $0x38;
	[tilespmem:$0x1EF80] =	vst v63  }
0x86: {  	s11 =	sadd.s32 $0xFFFFFDD0, s11  }
0x87: {  	s11 =	sshrl.u32 s11, $0x3  }
0x88: {  	s11 =	sadd.s32 s2, s11  }
0x89: {  	[tilespmem:s28], [sflag:$0x4] =	stream.linear.gather [hbm4b:s11+s5], $0x70, $0x38;
	[tilespmem:$0x1EF80] =	vst v63  }
0x8a: {  	_ =	swait.ge [sflag:s19], $0x3800  }
0x8b: {  	[sflag:s19] =	ssyncset.done $0x0  }
0x8c: {  	[sflag:s19] =	ssyncadd.s32 $0xFFFFC800  }
0x8d: {  	_ =	swait.ge [sflag:s20], $0x70  }
0x8e: {  	[sflag:s20] =	ssyncset.done $0x0  }
0x8f: {  	[sflag:s20] =	ssyncadd.s32 $0xFFFFFF90  }
0x90: {  	[spmem:s3] =	stream.indirect.scatter.add.f32 [tilespmem:s8], [sflag:$0x9], $0x80, s14, s1, $0xb8;
	[tilespmem:$0x1EF80] =	vst v63  }
0x91: {  	_ = 	snop  }
0x92: {  	[spmem:s4] =	stream.indirect.scatter.add.f32 [tilespmem:s7], [sflag:$0xC], $0x1, s14, s1, $0xb8;
	[tilespmem:$0x1EF80] =	vst v63  }
0x93: {  	_ =	swait.ge [sflag:s21], $0x3800  }
0x94: {  	[sflag:s21] =	ssyncset.done $0x0  }
0x95: {  	[sflag:s21] =	ssyncadd.s32 $0xFFFFC800  }
0x96: {  	_ =	swait.ge [sflag:s22], $0x70  }
0x97: {  	[sflag:s22] =	ssyncset.done $0x0  }
0x98: {  	[sflag:s22] =	ssyncadd.s32 $0xFFFFFF90  }
0x99: {  	[tilespmem:s29], [sflag:$0x2] =	stream.linear.gather [hbm4b:s25+s5], $0x3800, $0x38;
	[tilespmem:$0x1EF80] =	vst v63  }
0x9a: {  	s24 =	rddreg [dreg:$0x16]  }
0x9b: {  	[tilespmem:s30], [sflag:$0x5] =	stream.linear.gather [hbm4b:s24+s5], $0x70, $0x38;
	[tilespmem:$0x1EF80] =	vst v63  }
0x9c: {  	_ =	swait.ge [sflag:s31], $0x3800  }
0x9d: {  	[sflag:s31] =	ssyncset.done $0x0  }
0x9e: {  	[sflag:s31] =	ssyncadd.s32 $0xFFFFC800  }
0x9f: {  	_ =	swait.ge [sflag:s0], $0x70  }
0xa0: {  	[sflag:s0] =	ssyncset.done $0x0  }
0xa1: {  	[sflag:s0] =	ssyncadd.s32 $0xFFFFFF90  }
0xa2: {  	[spmem:s3] =	stream.indirect.scatter.add.f32 [tilespmem:s5], [sflag:$0x7], $0x80, s28, s1, $0xb8;
	[tilespmem:$0x1EF80] =	vst v63  }
0xa3: {  	p0 =	por $0x0, $0x0;
	s11 =	simm.s32 $0x230  }
0xa4: {  	[spmem:s4] =	stream.indirect.scatter.add.f32 [tilespmem:s7], [sflag:$0xA], $0x1, s28, s1, $0xb8;
	[tilespmem:$0x1EF80] =	vst v63  }
0xa5: {  	s11 =	simm.s32 @p0 $0x0;
	_ =	swait.ge [sflag:s26], $0x3800  }
0xa6: {  	s11 =	sadd.s32 s9, s11;
	[sflag:s26] =	ssyncset.done $0x0  }
0xa7: {  	s13 =	simm.s32 $0x380;
	s23 =	sshll.u32 s11, $0x4;
	[sflag:s26] =	ssyncadd.s32 $0xFFFFC800  }
0xa8: {  	s12 =	sshrl.u32 s11, $0x3;
	s11 =	sadd.s32 s6, s23;
	_ =	swait.ge [sflag:s10], $0x70  }
0xa9: {  	s23 =	sadd.s32 $0x1500, s25;
	s24 =	sadd.s32 $0x2A, s24;
	[sflag:s10] =	ssyncset.done $0x0  }
.LBB2_2:
0xaa: {  	[sflag:s10] =	ssyncadd.s32 $0xFFFFFF90  }
0xab: {  	[tilespmem:s8], [sflag:$0x3] =	stream.linear.gather [hbm4b:s11+s5], $0x3800, $0x38;
	[tilespmem:$0x1EF80] =	vst v63  }
0xac: {  	s25 =	sadd.s32 s2, s12  }
0xad: {  	[tilespmem:s14], [sflag:$0x6] =	stream.linear.gather [hbm4b:s25+s5], $0x70, $0x38;
	[tilespmem:$0x1EF80] =	vst v63  }
0xae: {  	_ =	swait.ge [sflag:s15], $0x3800  }
0xaf: {  	[sflag:s15] =	ssyncset.done $0x0  }
0xb0: {  	[sflag:s15] =	ssyncadd.s32 $0xFFFFC800  }
0xb1: {  	_ =	swait.ge [sflag:s16], $0x70  }
0xb2: {  	[sflag:s16] =	ssyncset.done $0x0  }
0xb3: {  	[sflag:s16] =	ssyncadd.s32 $0xFFFFFF90  }
0xb4: {  	[spmem:s3] =	stream.indirect.scatter.add.f32 [tilespmem:s29], [sflag:$0x8], $0x80, s30, s1, $0xb8;
	[tilespmem:$0x1EF80] =	vst v63  }
0xb5: {  	_ = 	snop  }
0xb6: {  	[spmem:s4] =	stream.indirect.scatter.add.f32 [tilespmem:s7], [sflag:$0xB], $0x1, s30, s1, $0xb8;
	[tilespmem:$0x1EF80] =	vst v63  }
0xb7: {  	_ =	swait.ge [sflag:s17], $0x3800  }
0xb8: {  	[sflag:s17] =	ssyncset.done $0x0  }
0xb9: {  	[sflag:s17] =	ssyncadd.s32 $0xFFFFC800  }
0xba: {  	_ =	swait.ge [sflag:s18], $0x70  }
0xbb: {  	s12 =	smov.u32 s13;
	[sflag:s18] =	ssyncset.done $0x0;
	s11 =	rddreg [dreg:$0x5]  }
0xbc: {  	s25 =	sadd.s32 $0xFFFFF900, s23;
	[sflag:s18] =	ssyncadd.s32 $0xFFFFFF90;
	s11 =	sadd.s32 s12, s11  }
0xbd: {  	[tilespmem:s5], [sflag:$0x1] =	stream.linear.gather [hbm4b:s25+s5], $0x3800, $0x38;
	[tilespmem:$0x1EF80] =	vst v63  }
0xbe: {  	s11 =	sadd.s32 $0xFFFFFDD0, s11  }
0xbf: {  	s11 =	sshrl.u32 s11, $0x3  }
0xc0: {  	s11 =	sadd.s32 s2, s11  }
0xc1: {  	[tilespmem:s28], [sflag:$0x4] =	stream.linear.gather [hbm4b:s11+s5], $0x70, $0x38;
	[tilespmem:$0x1EF80] =	vst v63  }
0xc2: {  	_ =	swait.ge [sflag:s19], $0x3800  }
0xc3: {  	[sflag:s19] =	ssyncset.done $0x0  }
0xc4: {  	[sflag:s19] =	ssyncadd.s32 $0xFFFFC800  }
0xc5: {  	_ =	swait.ge [sflag:s20], $0x70  }
0xc6: {  	[sflag:s20] =	ssyncset.done $0x0  }
0xc7: {  	[sflag:s20] =	ssyncadd.s32 $0xFFFFFF90  }
0xc8: {  	[spmem:s3] =	stream.indirect.scatter.add.f32 [tilespmem:s8], [sflag:$0x9], $0x80, s14, s1, $0xb8;
	[tilespmem:$0x1EF80] =	vst v63  }
0xc9: {  	_ = 	snop  }
0xca: {  	[spmem:s4] =	stream.indirect.scatter.add.f32 [tilespmem:s7], [sflag:$0xC], $0x1, s14, s1, $0xb8;
	[tilespmem:$0x1EF80] =	vst v63  }
0xcb: {  	_ =	swait.ge [sflag:s21], $0x3800  }
0xcc: {  	[sflag:s21] =	ssyncset.done $0x0  }
0xcd: {  	[sflag:s21] =	ssyncadd.s32 $0xFFFFC800  }
0xce: {  	_ =	swait.ge [sflag:s22], $0x70  }
0xcf: {  	[sflag:s22] =	ssyncset.done $0x0  }
0xd0: {  	[sflag:s22] =	ssyncadd.s32 $0xFFFFFF90  }
0xd1: {  	[tilespmem:s29], [sflag:$0x2] =	stream.linear.gather [hbm4b:s23+s5], $0x3800, $0x38;
	[tilespmem:$0x1EF80] =	vst v63  }
0xd2: {  	_ = 	snop  }
0xd3: {  	[tilespmem:s30], [sflag:$0x5] =	stream.linear.gather [hbm4b:s24+s5], $0x70, $0x38;
	[tilespmem:$0x1EF80] =	vst v63  }
0xd4: {  	_ =	swait.ge [sflag:s31], $0x3800  }
0xd5: {  	[sflag:s31] =	ssyncset.done $0x0  }
0xd6: {  	[sflag:s31] =	ssyncadd.s32 $0xFFFFC800  }
0xd7: {  	_ =	swait.ge [sflag:s0], $0x70  }
0xd8: {  	[sflag:s0] =	ssyncset.done $0x0  }
0xd9: {  	[sflag:s0] =	ssyncadd.s32 $0xFFFFFF90  }
0xda: {  	[spmem:s3] =	stream.indirect.scatter.add.f32 [tilespmem:s5], [sflag:$0x7], $0x80, s28, s1, $0xb8;
	[tilespmem:$0x1EF80] =	vst v63  }
0xdb: {  	p0 =	sne.s32 s13, $0x26F0;
	p1 =	seq.s32 s12, $0x26F0  }
0xdc: {  	[spmem:s4] =	stream.indirect.scatter.add.f32 [tilespmem:s7], [sflag:$0xA], $0x1, s28, s1, $0xb8;
	[tilespmem:$0x1EF80] =	vst v63  }
.Ltmp0:
0xdd: {  	s12 =	simm.s32 @p1 $0x0;
	_ =	swait.ge [sflag:s26], $0x3800;
	(pc) =	sbr.rel @p0 .LBB2_2-.Ltmp0, $4  }
0xde: {  	s12 =	sadd.s32 s9, s12;
	[sflag:s26] =	ssyncset.done $0x0  }
0xdf: {  	s13 =	sadd.s32 $0x150, s13;
	s25 =	sshll.u32 s12, $0x4;
	[sflag:s26] =	ssyncadd.s32 $0xFFFFC800  }
0xe0: {  	s12 =	sshrl.u32 s12, $0x3;
	s11 =	sadd.s32 s6, s25;
	_ =	swait.ge [sflag:s10], $0x70  }
0xe1: {  	s23 =	sadd.s32 $0x1500, s23;
	s24 =	sadd.s32 $0x2A, s24;
	[sflag:s10] =	ssyncset.done $0x0  }
0xe2: {  	[sflag:s10] =	ssyncadd.s32 $0xFFFFFF90  }
0xe3: {  	[tilespmem:s8], [sflag:$0x3] =	stream.linear.gather [hbm4b:s11+s5], $0x3800, $0x38;
	[tilespmem:$0x1EF80] =	vst v63  }
0xe4: {  	s12 =	sadd.s32 s2, s12  }
0xe5: {  	[tilespmem:s14], [sflag:$0x6] =	stream.linear.gather [hbm4b:s12+s5], $0x70, $0x38;
	[tilespmem:$0x1EF80] =	vst v63  }
0xe6: {  	_ =	swait.ge [sflag:s15], $0x3800  }
0xe7: {  	[sflag:s15] =	ssyncset.done $0x0  }
0xe8: {  	[sflag:s15] =	ssyncadd.s32 $0xFFFFC800  }
0xe9: {  	_ =	swait.ge [sflag:s16], $0x70  }
0xea: {  	[sflag:s16] =	ssyncset.done $0x0  }
0xeb: {  	[sflag:s16] =	ssyncadd.s32 $0xFFFFFF90  }
0xec: {  	[spmem:s3] =	stream.indirect.scatter.add.f32 [tilespmem:s29], [sflag:$0x8], $0x80, s30, s1, $0xb8;
	[tilespmem:$0x1EF80] =	vst v63  }
0xed: {  	_ = 	snop  }
0xee: {  	[spmem:s4] =	stream.indirect.scatter.add.f32 [tilespmem:s7], [sflag:$0xB], $0x1, s30, s1, $0xb8;
	[tilespmem:$0x1EF80] =	vst v63  }
0xef: {  	_ =	swait.ge [sflag:s17], $0x3800  }
0xf0: {  	[sflag:s17] =	ssyncset.done $0x0  }
0xf1: {  	[sflag:s17] =	ssyncadd.s32 $0xFFFFC800  }
0xf2: {  	_ =	swait.ge [sflag:s18], $0x70  }
0xf3: {  	[sflag:s18] =	ssyncset.done $0x0  }
0xf4: {  	s13 =	rddreg [dreg:$0xa];
	[sflag:s18] =	ssyncadd.s32 $0xFFFFFF90  }
0xf5: {  	[tilespmem:s5], [sflag:$0x1] =	stream.linear.gather [hbm4b:s13+s5], $0x3800, $0x38;
	[tilespmem:$0x1EF80] =	vst v63  }
0xf6: {  	s23 =	rddreg [dreg:$0xb]  }
0xf7: {  	[tilespmem:s28], [sflag:$0x4] =	stream.linear.gather [hbm4b:s23+s5], $0x70, $0x38;
	[tilespmem:$0x1EF80] =	vst v63  }
0xf8: {  	_ =	swait.ge [sflag:s21], $0x3800  }
0xf9: {  	[sflag:s21] =	ssyncset.done $0x0  }
0xfa: {  	[sflag:s21] =	ssyncadd.s32 $0xFFFFC800  }
0xfb: {  	_ =	swait.ge [sflag:s22], $0x70  }
0xfc: {  	[sflag:s22] =	ssyncset.done $0x0  }
0xfd: {  	[sflag:s22] =	ssyncadd.s32 $0xFFFFFF90  }
0xfe: {  	_ =	swait.ge [sflag:s19], $0x3800  }
0xff: {  	[sflag:s19] =	ssyncset.done $0x0  }
0x100: {  	[sflag:s19] =	ssyncadd.s32 $0xFFFFC800  }
0x101: {  	_ =	swait.ge [sflag:s20], $0x70  }
0x102: {  	[sflag:s20] =	ssyncset.done $0x0  }
0x103: {  	[sflag:s20] =	ssyncadd.s32 $0xFFFFFF90  }
0x104: {  	_ =	swait.ge [sflag:s31], $0x3800  }
0x105: {  	[sflag:s31] =	ssyncset.done $0x0  }
0x106: {  	[sflag:s31] =	ssyncadd.s32 $0xFFFFC800  }
0x107: {  	_ =	swait.ge [sflag:s0], $0x70  }
0x108: {  	[sflag:s0] =	ssyncset.done $0x0  }
0x109: {  	s12 =	simm.s32 $0xD;
	s24 =	rddreg [dreg:$0x10];
	[sflag:s0] =	ssyncadd.s32 $0xFFFFFF90  }
0x10a: {  	[tilespmem:s5], [sflag:$0xD] =	stream.linear.gather [hbm4b:s24+s5], $0x1000, $0x38;
	[tilespmem:$0x1EF80] =	vst v63  }
0x10b: {  	_ =	swait.ge [sflag:s12], $0x1000  }
0x10c: {  	[sflag:s12] =	ssyncset.done $0x0  }
0x10d: {  	s13 =	simm.s32 $0xA980;
	s25 =	rddreg [dreg:$0x12];
	[sflag:s12] =	ssyncadd.s32 $0xFFFFF000  }
0x10e: {  	[tilespmem:s13], [sflag:$0xD] =	stream.linear.gather [hbm4b:s25+s5], $0x20, $0x38;
	[tilespmem:$0x1EF80] =	vst v63  }
0x10f: {  	_ =	swait.ge [sflag:s12], $0x20  }
0x110: {  	[sflag:s12] =	ssyncset.done $0x0  }
0x111: {  	s23 =	simm.s32 $0x20;
	[sflag:s12] =	ssyncadd.s32 $0xFFFFFFE0  }
0x112: {  	[spmem:s3] =	stream.indirect.scatter.add.f32 [tilespmem:s5], [sflag:$0xD], $0x80, s13, s23, $0xb8;
	[tilespmem:$0x1EF80] =	vst v63  }
0x113: {  	_ =	swait.ge [sflag:s12], $0x1000  }
0x114: {  	[sflag:s12] =	ssyncset.done $0x0  }
0x115: {  	[sflag:s12] =	ssyncadd.s32 $0xFFFFF000  }
0x116: {  	[spmem:s4] =	stream.indirect.scatter.add.f32 [tilespmem:s7], [sflag:$0xD], $0x1, s13, s23, $0xb8;
	[tilespmem:$0x1EF80] =	vst v63  }
0x117: {  	_ =	swait.ge [sflag:s12], $0x20  }
0x118: {  	[sflag:s12] =	ssyncset.done $0x0  }
0x119: {  	[sflag:s12] =	ssyncadd.s32 $0xFFFFFFE0  }
0x11a: {  	[bflag:$0x0] =	sbarrier.arrive $0xFFFF  }
0x11b: {  	s13 =	rddreg [dreg:$0x8]  }
0x11c: {  	s24 =	rddreg [dreg:$0x11]  }
0x11d: {  	s23 =	rddreg [dreg:$0x18]  }
0x11e: {  	[hbm:s24], [sflag:s13] =	dma.local [spmem:s23], $0x2800  }
0x11f: {  	_ =	swait.ge [sflag:s12], $0x2800  }
0x120: {  	[sflag:s12] =	ssyncset.done $0x0  }
0x121: {  	s24 =	simm.s32 $0xAA80;
	s23 =	rddreg [dreg:$0x9];
	[sflag:s12] =	ssyncadd.s32 $0xFFFFD800  }
0x122: {  	[tilespmem:s24], [sflag:$0xD] =	stream.linear.gather [spmem:s23], $0x280, $0x38;
	[tilespmem:$0x1EF80] =	vst v63  }
0x123: {  	_ =	swait.ge [sflag:s12], $0x280  }
0x124: {  	[sflag:s12] =	ssyncset.done $0x0  }
0x125: {  	[sflag:s12] =	ssyncadd.s32 $0xFFFFFD80  }
0x126: {  	v2 =	vld [tilespmem:$0xAA80]  }
0x127: {  	v3 =	vld [tilespmem:$0xAA90]  }
0x128: {  	v4 =	vld [tilespmem:$0xAAA0]  }
0x129: {  	v5 =	vld [tilespmem:$0xAAB0]  }
0x12a: {  	v6 =	vld [tilespmem:$0xAAC0]  }
0x12b: {  	v43 =	vld [tilespmem:$0xAAF0];
	[tilespmem:$0x0] =	vst v2  }
0x12c: {  	v44 =	vld [tilespmem:$0xAB00];
	[tilespmem:$0x10] =	vst v3  }
0x12d: {  	v45 =	vld [tilespmem:$0xAB10];
	[tilespmem:$0x20] =	vst v4  }
0x12e: {  	v2 =	vld [tilespmem:$0xAAD0];
	[tilespmem:$0x30] =	vst v5  }
0x12f: {  	v3 =	vld [tilespmem:$0xAAE0];
	[tilespmem:$0x40] =	vst v6  }
0x130: {  	v46 =	vld [tilespmem:$0xAB40];
	[tilespmem:$0x70] =	vst v43  }
0x131: {  	v47 =	vld [tilespmem:$0xAB50];
	[tilespmem:$0x80] =	vst v44  }
0x132: {  	v48 =	vld [tilespmem:$0xAB60];
	[tilespmem:$0x90] =	vst v45  }
0x133: {  	[tilespmem:$0x50] =	vst v2;
	v2 =	vld [tilespmem:$0xAB20]  }
0x134: {  	[tilespmem:$0x60] =	vst v3;
	v3 =	vld [tilespmem:$0xAB30]  }
0x135: {  	v49 =	vld [tilespmem:$0xAB90];
	[tilespmem:$0xC0] =	vst v46  }
0x136: {  	v50 =	vld [tilespmem:$0xABA0];
	[tilespmem:$0xD0] =	vst v47  }
0x137: {  	v51 =	vld [tilespmem:$0xABB0];
	[tilespmem:$0xE0] =	vst v48  }
0x138: {  	[tilespmem:$0xA0] =	vst v2;
	v2 =	vld [tilespmem:$0xAB70]  }
0x139: {  	[tilespmem:$0xB0] =	vst v3;
	v3 =	vld [tilespmem:$0xAB80]  }
0x13a: {  	v52 =	vld [tilespmem:$0xABE0];
	[tilespmem:$0x110] =	vst v49  }
0x13b: {  	v53 =	vld [tilespmem:$0xABF0];
	[tilespmem:$0x120] =	vst v50  }
0x13c: {  	v54 =	vld [tilespmem:$0xAC00];
	[tilespmem:$0x130] =	vst v51  }
0x13d: {  	[tilespmem:$0xF0] =	vst v2;
	v2 =	vld [tilespmem:$0xABC0]  }
0x13e: {  	[tilespmem:$0x100] =	vst v3;
	v3 =	vld [tilespmem:$0xABD0]  }
0x13f: {  	v55 =	vld [tilespmem:$0xAC30];
	[tilespmem:$0x160] =	vst v52  }
0x140: {  	v56 =	vld [tilespmem:$0xAC40];
	[tilespmem:$0x170] =	vst v53  }
0x141: {  	v57 =	vld [tilespmem:$0xAC50];
	[tilespmem:$0x180] =	vst v54  }
0x142: {  	[tilespmem:$0x140] =	vst v2;
	v2 =	vld [tilespmem:$0xAC10]  }
0x143: {  	[tilespmem:$0x150] =	vst v3;
	v3 =	vld [tilespmem:$0xAC20]  }
0x144: {  	v58 =	vld [tilespmem:$0xAC80];
	[tilespmem:$0x1B0] =	vst v55  }
0x145: {  	v59 =	vld [tilespmem:$0xAC90];
	[tilespmem:$0x1C0] =	vst v56  }
0x146: {  	v60 =	vld [tilespmem:$0xACA0];
	[tilespmem:$0x1D0] =	vst v57  }
0x147: {  	[tilespmem:$0x190] =	vst v2;
	v2 =	vld [tilespmem:$0xAC60]  }
0x148: {  	[tilespmem:$0x1A0] =	vst v3;
	v3 =	vld [tilespmem:$0xAC70]  }
0x149: {  	v61 =	vld [tilespmem:$0xACD0];
	[tilespmem:$0x200] =	vst v58  }
0x14a: {  	v62 =	vld [tilespmem:$0xACE0];
	[tilespmem:$0x210] =	vst v59  }
0x14b: {  	v63 =	vld [tilespmem:$0xACF0];
	[tilespmem:$0x220] =	vst v60  }
0x14c: {  	[tilespmem:$0x1E0] =	vst v2;
	v2 =	vld [tilespmem:$0xACB0]  }
0x14d: {  	[tilespmem:$0x1F0] =	vst v3;
	v3 =	vld [tilespmem:$0xACC0]  }
0x14e: {  	[tilespmem:$0x250] =	vst v61  }
0x14f: {  	[tilespmem:$0x260] =	vst v62  }
0x150: {  	[tilespmem:$0x270] =	vst v63  }
0x151: {  	[tilespmem:$0x230] =	vst v2  }
0x152: {  	s25 =	rddreg [dreg:$0x13];
	[tilespmem:$0x240] =	vst v3  }
0x153: {  	[hbm4b:s25+s5] =	stream.linear.scatter [tilespmem:s5], [sflag:$0xD], $0x400, $0x38;
	[tilespmem:$0x1EF80] =	vst v63  }
0x154: {  	_ =	swait.ge [sflag:s12], $0x400  }
0x155: {  	s25 =	rddreg [dreg:$0x17]  }
0x156: {  	s11 =	rddreg [dreg:$0x14];
	s25 =	sadd.s32 $0x1, s25  }
0x157: {  	p0 =	sne.s32 s25, s11  }
.Ltmp1:
0x158: {  	_ = 	snop;
	(pc) =	sbr.rel @p0 .LBB2_1-.Ltmp1, $3  }
0x159: {  	_ =	sdelay $0x1  }
0x15a: {  	[sflag:s12] =	ssyncset.done $0x0  }
0x15b: {  	[sflag:s12] =	ssyncadd.s32 $0xFFFFFC00;
	[dreg:$0x17] =	wrdreg s25  }
0x15c: {  	_ =	sfence.sel $0x180000  }
0x15d: {  	[bflag:$0x0] =	sbarrier.arrive $0xFFFF  }
0x15e: {  	_ =	strace $0x90000047  }
0x15f: {  	s0 =	stileid.u32;
	[bflag:$0x2] =	sbarrier.arrive $0xFFFF  }
0x160: {  	p0 =	sne.s32 s0, $0x0;
	s0 =	rddreg [dreg:$0x4]  }
0x161: {  	s0 =	sadd.s32 @!p0 $0x100000, s0  }
0x162: {  	[sflag:s0] =	ssyncadd.tile.s32 @!p0 $0x1;
	_ =	shalt  }
.Lfunc_end2:
_tile_overlayer_lowered:
.L_overlay_start_2:
0x163: {  	(tag) =	ssettag $0x2  }
0x164: {  	s0 =	rddreg [dreg:$0x0];
	s2 =	stileid.u32  }
0x165: {  	s1 =	rddreg [dreg:$0x1];
	p0 =	sne.s32 s2, $0x0  }
0x166: {  	s3 =	rddreg [dreg:$0x2];
	[bflag:$0x3] =	sbarrier.arrive $0xFFFF;
	s2 =	simm.s32 @!p0 $0x1C0D  }
0x167: {  	[timem:s3], [sflag:s2] =	dma.local @!p0 [hbm:s0], s1  }
0x168: {  	s0 =	simm.s32 @!p0 $0xD  }
0x169: {  	_ =	swait.ge @!p0 [sflag:s0], s1  }
0x16a: {  	s1 =	ssub.s32 @!p0 $0x0, s1;
	[sflag:s0] =	ssyncset.done @!p0 $0x0  }
0x16b: {  	[sflag:s0] =	ssyncadd.s32 @!p0 s1  }
0x16c: {  	[bflag:$0x3] =	sbarrier.arrive $0xFFFF  }
0x16d: {  	_ =	shalt  }

</sc_bundles>
